<compile_context>
chip_gen: v7x
topology: tpu7x:2x2x1
jax: 0.10.2.dev20260603
libtpu: 0.0.44.dev20260713+nightly
codegen_flags: <defaults>
</compile_context>

<pallas_src>
import functools

import jax
import jax.numpy as jnp
from jax import lax
from jax.experimental import pallas as pl
from jax.experimental.pallas import tpu as pltpu
from jax.experimental.pallas import tpu_sc as plsc

NC = 2
NS = 16
NW = NC * NS
LANES = 16
IDXW = 128
CH = 512
UNROLL = 8


def _sc_embed(text, emb, B, T, D):
    head_per_w = B // NW
    tail_per_w = (T - B) // NW
    n_chunks = tail_per_w // CH
    k_sub = CH // IDXW

    mesh = plsc.VectorSubcoreMesh(core_axis_name="c", subcore_axis_name="s")

    @functools.partial(
        pl.kernel,
        mesh=mesh,
        compiler_params=pltpu.CompilerParams(use_tc_tiling_on_sc=False),
        out_type=(
            jax.ShapeDtypeStruct((B, D), jnp.float32),
            jax.ShapeDtypeStruct((NW * D,), jnp.float32),
        ),
        scratch_types=[
            pltpu.VMEM((head_per_w,), jnp.int32),
            pltpu.VMEM((head_per_w, D), jnp.float32),
            pltpu.VMEM((tail_per_w,), jnp.int32),
            pltpu.VMEM((2 * CH, D), jnp.float32),
            pltpu.VMEM((D,), jnp.float32),
            pltpu.SemaphoreType.DMA,
            pltpu.SemaphoreType.DMA,
            pltpu.SemaphoreType.DMA,
            pltpu.SemaphoreType.DMA,
        ],
    )
    def body(text_hbm, emb_hbm, x_hbm, part_hbm,
             idxh_v, rowsh_v, idxt_v, rows_v, acc_v,
             sem_h, sem_i, sem_g0, sem_g1):
        wid = lax.axis_index("s") * NC + lax.axis_index("c")
        sem_g = (sem_g0, sem_g1)
        tbase = B + wid * tail_per_w

        cp_idx = pltpu.async_copy(
            text_hbm.at[pl.ds(tbase, tail_per_w)], idxt_v, sem_i)

        hbase = wid * head_per_w
        pltpu.sync_copy(text_hbm.at[pl.ds(hbase, head_per_w)], idxh_v)
        hcps = [
            pltpu.async_copy(
                emb_hbm.at[idxh_v.at[pl.ds(i * IDXW, IDXW)]],
                rowsh_v.at[pl.ds(i * IDXW, IDXW)],
                sem_h,
            )
            for i in range(head_per_w // IDXW)
        ]
        for c in hcps:
            c.wait()
        pltpu.sync_copy(rowsh_v, x_hbm.at[pl.ds(hbase, head_per_w)])
        cp_idx.wait()

        def start(c, b):
            for i in range(k_sub):
                pltpu.async_copy(
                    emb_hbm.at[idxt_v.at[pl.ds(c * CH + i * IDXW, IDXW)]],
                    rows_v.at[pl.ds(b * CH + i * IDXW, IDXW)],
                    sem_g[b],
                )

        def process(b, carry):
            pltpu.make_async_copy(
                emb_hbm.at[pl.ds(0, CH)],
                rows_v.at[pl.ds(b * CH, CH)],
                sem_g[b],
            ).wait()

            def row_body(j, c):
                a0, a1, a2, a3 = c
                r0 = b * CH + j * UNROLL
                for u in range(UNROLL):
                    r = r0 + u
                    a0 = a0 + rows_v[r, 0:16]
                    a1 = a1 + rows_v[r, 16:32]
                    a2 = a2 + rows_v[r, 32:48]
                    a3 = a3 + rows_v[r, 48:64]
                return (a0, a1, a2, a3)

            return lax.fori_loop(0, CH // UNROLL, row_body, carry)

        zero = jnp.zeros((LANES,), jnp.float32)
        start(0, 0)
        start(1, 1)

        def pair_body(j, carry):
            c = 2 * j
            carry = process(0, carry)

            @pl.when(c + 2 < n_chunks)
            def _():
                start(c + 2, 0)

            carry = process(1, carry)

            @pl.when(c + 3 < n_chunks)
            def _():
                start(c + 3, 1)

            return carry

        carry = lax.fori_loop(0, n_chunks // 2, pair_body,
                              (zero, zero, zero, zero))
        if n_chunks % 2:
            carry = process(0, carry)
        a0, a1, a2, a3 = carry
        acc_v[pl.ds(0, 16)] = a0
        acc_v[pl.ds(16, 16)] = a1
        acc_v[pl.ds(32, 16)] = a2
        acc_v[pl.ds(48, 16)] = a3
        pltpu.sync_copy(acc_v, part_hbm.at[pl.ds(wid * D, D)])

    return body(text, emb)


def _tc_mlp(x, part, W1, b1, W2, b2, W3, b3, cnt):
    B, D = x.shape
    OUTD = W3.shape[1]
    BM = 2048
    nblk = B // BM

    def body(x_ref, part_ref, w1_ref, b1_ref, w2_ref, b2_ref, w3_ref,
             b3_ref, o_ref):
        pid = pl.program_id(0)
        xb = x_ref[...]
        tail = (jnp.sum(part_ref[...], axis=0) + xb[BM - 1, :]) / cnt
        rowid = lax.broadcasted_iota(jnp.int32, (BM, 1), 0)
        sel = jnp.logical_and(pid == nblk - 1, rowid == BM - 1)
        xb = jnp.where(sel, tail[None, :], xb)
        h = jnp.maximum(
            jnp.dot(xb, w1_ref[...], preferred_element_type=jnp.float32)
            + b1_ref[...], 0.0)
        h = jnp.maximum(
            jnp.dot(h, w2_ref[...], preferred_element_type=jnp.float32)
            + b2_ref[...], 0.0)
        o_ref[...] = (
            jnp.dot(h, w3_ref[...], preferred_element_type=jnp.float32)
            + b3_ref[...])

    full = lambda shape: pl.BlockSpec(shape, lambda i: (0, 0))
    return pl.pallas_call(
        body,
        grid=(nblk,),
        in_specs=[
            pl.BlockSpec((BM, D), lambda i: (i, 0)),
            full(part.shape),
            full(W1.shape), full((1, D)),
            full(W2.shape), full((1, D)),
            full(W3.shape), full((1, OUTD)),
        ],
        out_specs=pl.BlockSpec((BM, OUTD), lambda i: (i, 0)),
        out_shape=jax.ShapeDtypeStruct((B, OUTD), jnp.float32),
    )(x, part, W1, b1.reshape(1, D), W2, b2.reshape(1, D),
      W3, b3.reshape(1, OUTD))


def kernel(text, offsets, emb, W1, b1, W2, b2, W3, b3):
    T = text.shape[0]
    B = offsets.shape[0]
    V, D = emb.shape
    x, part = _sc_embed(text, emb, B, T, D)
    cnt = float(T - B + 1)
    return _tc_mlp(x, part.reshape(NW, D), W1, b1, W2, b2, W3, b3, cnt)

# --- scband reference (transcript-rebuilt; emitter-appended) ---
"""Pipeline reference for scband-mlp-text-24240795418823 (READ-ONLY COPY).

The authoritative reference and input builder live on the scoring server;
editing this copy changes nothing except your own understanding.
"""

import jax, jax.numpy as jnp
import numpy as np

V = 1000000
D = 64
B = 16384
T = 819200
OUT = 16


def setup_inputs(seed: int = 0) -> dict:
    key = jax.random.key(seed)
    ks = jax.random.split(key, 10)
    text = jax.random.randint(ks[0], (T,), 0, V, dtype=jnp.int32)
    offsets = jnp.arange(B, dtype=jnp.int32)
    emb = jax.random.normal(ks[1], (V, D), dtype=jnp.float32) * 0.02
    W1 = jax.random.normal(ks[2], (D, 64), dtype=jnp.float32) * (1.0 / np.sqrt(D))
    b1 = jnp.zeros((64,), dtype=jnp.float32)
    W2 = jax.random.normal(ks[3], (64, 64), dtype=jnp.float32) * (1.0 / np.sqrt(64))
    b2 = jnp.zeros((64,), dtype=jnp.float32)
    W3 = jax.random.normal(ks[4], (64, OUT), dtype=jnp.float32) * (1.0 / np.sqrt(64))
    b3 = jnp.zeros((OUT,), dtype=jnp.float32)
    return {"text": text, "offsets": offsets, "emb": emb,
            "W1": W1, "b1": b1, "W2": W2, "b2": b2, "W3": W3, "b3": b3}


def reference(text, offsets, emb, W1, b1, W2, b2, W3, b3):
    # EmbeddingBag(mode='mean'): gather rows then mean-reduce per bag defined by offsets
    seg = jnp.searchsorted(offsets, jnp.arange(T, dtype=offsets.dtype), side='right') - 1
    gathered = jnp.take(emb, text, axis=0)
    sums = jax.ops.segment_sum(gathered, seg, num_segments=B)
    counts = jax.ops.segment_sum(jnp.ones((T,), dtype=jnp.float32), seg, num_segments=B)
    x = sums / jnp.maximum(counts, 1.0)[:, None]
    # MLP: Linear(64,64)+ReLU, Linear(64,64)+ReLU, Linear(64,16)
    x = jax.nn.relu(x @ W1 + b1)
    x = jax.nn.relu(x @ W2 + b2)
    x = x @ W3 + b3
    return x

if __name__ == "__main__":
    import jax
    _d = setup_inputs()
    print(jax.jit(kernel)(*tuple(_d.values())))

</pallas_src>

<mosaic_0001>
#map = affine_map<(d0, d1) -> (0)>
#map1 = affine_map<(d0, d1) -> (0, 0)>
module attributes {stable_mosaic.version = 14 : i64} {
  func.func @body(%arg0: i32, %arg1: i32, %arg2: memref<819200xi32, #tpu.memory_space<hbm>>, %arg3: memref<1000000x64xf32, #tpu.memory_space<hbm>>, %arg4: memref<16384x64xf32, #tpu.memory_space<hbm>>, %arg5: memref<2048xf32, #tpu.memory_space<hbm>>, %arg6: memref<512xi32, #tpu.memory_space<vmem>>, %arg7: memref<512x64xf32, #tpu.memory_space<vmem>>, %arg8: memref<25088xi32, #tpu.memory_space<vmem>>, %arg9: memref<1024x64xf32, #tpu.memory_space<vmem>>, %arg10: memref<64xf32, #tpu.memory_space<vmem>>, %arg11: memref<!tpu.dma_semaphore, #tpu.memory_space<semaphore_mem>>, %arg12: memref<!tpu.dma_semaphore, #tpu.memory_space<semaphore_mem>>, %arg13: memref<!tpu.dma_semaphore, #tpu.memory_space<semaphore_mem>>, %arg14: memref<!tpu.dma_semaphore, #tpu.memory_space<semaphore_mem>>) attributes {dimension_semantics = [#tpu.dimension_semantics<core_parallel>, #tpu.dimension_semantics<subcore_parallel>], iteration_bounds = array<i64: 2, 16>, scalar_prefetch = 0 : i64, scratch_operands = 9 : i64, tpu.core_type = #tpu.core_type<sc_vector_subcore>, window_params = [{transform_indices = #map}, {transform_indices = #map1}, {transform_indices = #map1}, {transform_indices = #map}]} {
    %mul3A = arith.constant 2 : i32
    %mul3A_0 = arith.muli %arg1, %mul3A : i32
    %add3A = arith.addi %mul3A_0, %arg0 : i32
    %mul3A_1 = arith.constant 25088 : i32
    %mul3A_2 = arith.muli %add3A, %mul3A_1 : i32
    %add3A_3 = arith.constant 16384 : i32
    %add3A_4 = arith.addi %add3A_3, %mul3A_2 : i32
    %dma_start3A = tpu.memref_slice %arg2[%add3A_4] : memref<819200xi32, #tpu.memory_space<hbm>> -> memref<25088xi32, #tpu.memory_space<hbm>>
    %dma_start3A_5 = tpu.memref_slice %arg2[%add3A_4] : memref<819200xi32, #tpu.memory_space<hbm>> -> memref<25088xi32, #tpu.memory_space<hbm>>
    tpu.enqueue_dma source(%dma_start3A_5 : memref<25088xi32, #tpu.memory_space<hbm>>) target(%arg8 : memref<25088xi32, #tpu.memory_space<vmem>>) target_semaphore(%arg12 : memref<!tpu.dma_semaphore, #tpu.memory_space<semaphore_mem>>)
    %mul3A_6 = arith.constant 512 : i32
    %mul3A_7 = arith.muli %add3A, %mul3A_6 : i32
    "tpu.region"() ({
      %run_scoped3A = tpu.sem_alloc : memref<!tpu.dma_semaphore, #tpu.memory_space<semaphore_mem>>
      %dma_start3A_178 = tpu.memref_slice %arg2[%mul3A_7] : memref<819200xi32, #tpu.memory_space<hbm>> -> memref<512xi32, #tpu.memory_space<hbm>>
      %dma_start3A_179 = tpu.memref_slice %arg2[%mul3A_7] : memref<819200xi32, #tpu.memory_space<hbm>> -> memref<512xi32, #tpu.memory_space<hbm>>
      tpu.enqueue_dma source(%dma_start3A_179 : memref<512xi32, #tpu.memory_space<hbm>>) target(%arg6 : memref<512xi32, #tpu.memory_space<vmem>>) target_semaphore(%run_scoped3A : memref<!tpu.dma_semaphore, #tpu.memory_space<semaphore_mem>>)
      %dma_wait3A_180 = tpu.memref_slice %arg2[%mul3A_7] : memref<819200xi32, #tpu.memory_space<hbm>> -> memref<512xi32, #tpu.memory_space<hbm>>
      %dma_wait3A_181 = tpu.memref_slice %arg2[%mul3A_7] : memref<819200xi32, #tpu.memory_space<hbm>> -> memref<512xi32, #tpu.memory_space<hbm>>
      tpu.wait_dma2 semaphore(%run_scoped3A : memref<!tpu.dma_semaphore, #tpu.memory_space<semaphore_mem>>) src(%dma_wait3A_181 : memref<512xi32, #tpu.memory_space<hbm>>) dst(%arg6 : memref<512xi32, #tpu.memory_space<vmem>>)
      tpu.yield
    }) : () -> ()
    %dma_start3A_8 = arith.constant 0 : i32
    %dma_start3A_9 = arith.constant 0 : i32
    %dma_start3A_10 = tpu.memref_slice %arg7[%dma_start3A_8, %dma_start3A_9] : memref<512x64xf32, #tpu.memory_space<vmem>> -> memref<128x64xf32, #tpu.memory_space<vmem>>
    %dma_start3A_11 = arith.constant 0 : i32
    %dma_start3A_12 = tpu.memref_slice %arg6[%dma_start3A_11] : memref<512xi32, #tpu.memory_space<vmem>> -> memref<128xi32, #tpu.memory_space<vmem>>
    %dma_start3A_13 = arith.constant 0 : i32
    %dma_start3A_14 = arith.constant 0 : i32
    %dma_start3A_15 = tpu.memref_slice %arg3[%dma_start3A_13, %dma_start3A_14] : memref<1000000x64xf32, #tpu.memory_space<hbm>> -> memref<1000000x64xf32, #tpu.memory_space<hbm>>
    tpu.enqueue_indirect_dma source(%dma_start3A_15 : memref<1000000x64xf32, #tpu.memory_space<hbm>>) target(%dma_start3A_10 : memref<128x64xf32, #tpu.memory_space<vmem>>) offsets(%dma_start3A_12 : memref<128xi32, #tpu.memory_space<vmem>>) semaphore(%arg11 : memref<!tpu.dma_semaphore, #tpu.memory_space<semaphore_mem>>)
    %dma_start3A_16 = arith.constant 128 : i32
    %dma_start3A_17 = arith.constant 0 : i32
    %dma_start3A_18 = tpu.memref_slice %arg7[%dma_start3A_16, %dma_start3A_17] : memref<512x64xf32, #tpu.memory_space<vmem>> -> memref<128x64xf32, #tpu.memory_space<vmem>>
    %dma_start3A_19 = arith.constant 128 : i32
    %dma_start3A_20 = tpu.memref_slice %arg6[%dma_start3A_19] : memref<512xi32, #tpu.memory_space<vmem>> -> memref<128xi32, #tpu.memory_space<vmem>>
    %dma_start3A_21 = arith.constant 0 : i32
    %dma_start3A_22 = arith.constant 0 : i32
    %dma_start3A_23 = tpu.memref_slice %arg3[%dma_start3A_21, %dma_start3A_22] : memref<1000000x64xf32, #tpu.memory_space<hbm>> -> memref<1000000x64xf32, #tpu.memory_space<hbm>>
    tpu.enqueue_indirect_dma source(%dma_start3A_23 : memref<1000000x64xf32, #tpu.memory_space<hbm>>) target(%dma_start3A_18 : memref<128x64xf32, #tpu.memory_space<vmem>>) offsets(%dma_start3A_20 : memref<128xi32, #tpu.memory_space<vmem>>) semaphore(%arg11 : memref<!tpu.dma_semaphore, #tpu.memory_space<semaphore_mem>>)
    %dma_start3A_24 = arith.constant 256 : i32
    %dma_start3A_25 = arith.constant 0 : i32
    %dma_start3A_26 = tpu.memref_slice %arg7[%dma_start3A_24, %dma_start3A_25] : memref<512x64xf32, #tpu.memory_space<vmem>> -> memref<128x64xf32, #tpu.memory_space<vmem>>
    %dma_start3A_27 = arith.constant 256 : i32
    %dma_start3A_28 = tpu.memref_slice %arg6[%dma_start3A_27] : memref<512xi32, #tpu.memory_space<vmem>> -> memref<128xi32, #tpu.memory_space<vmem>>
    %dma_start3A_29 = arith.constant 0 : i32
    %dma_start3A_30 = arith.constant 0 : i32
    %dma_start3A_31 = tpu.memref_slice %arg3[%dma_start3A_29, %dma_start3A_30] : memref<1000000x64xf32, #tpu.memory_space<hbm>> -> memref<1000000x64xf32, #tpu.memory_space<hbm>>
    tpu.enqueue_indirect_dma source(%dma_start3A_31 : memref<1000000x64xf32, #tpu.memory_space<hbm>>) target(%dma_start3A_26 : memref<128x64xf32, #tpu.memory_space<vmem>>) offsets(%dma_start3A_28 : memref<128xi32, #tpu.memory_space<vmem>>) semaphore(%arg11 : memref<!tpu.dma_semaphore, #tpu.memory_space<semaphore_mem>>)
    %dma_start3A_32 = arith.constant 384 : i32
    %dma_start3A_33 = arith.constant 0 : i32
    %dma_start3A_34 = tpu.memref_slice %arg7[%dma_start3A_32, %dma_start3A_33] : memref<512x64xf32, #tpu.memory_space<vmem>> -> memref<128x64xf32, #tpu.memory_space<vmem>>
    %dma_start3A_35 = arith.constant 384 : i32
    %dma_start3A_36 = tpu.memref_slice %arg6[%dma_start3A_35] : memref<512xi32, #tpu.memory_space<vmem>> -> memref<128xi32, #tpu.memory_space<vmem>>
    %dma_start3A_37 = arith.constant 0 : i32
    %dma_start3A_38 = arith.constant 0 : i32
    %dma_start3A_39 = tpu.memref_slice %arg3[%dma_start3A_37, %dma_start3A_38] : memref<1000000x64xf32, #tpu.memory_space<hbm>> -> memref<1000000x64xf32, #tpu.memory_space<hbm>>
    tpu.enqueue_indirect_dma source(%dma_start3A_39 : memref<1000000x64xf32, #tpu.memory_space<hbm>>) target(%dma_start3A_34 : memref<128x64xf32, #tpu.memory_space<vmem>>) offsets(%dma_start3A_36 : memref<128xi32, #tpu.memory_space<vmem>>) semaphore(%arg11 : memref<!tpu.dma_semaphore, #tpu.memory_space<semaphore_mem>>)
    %dma_wait3A = arith.constant 0 : i32
    %dma_wait3A_40 = arith.constant 0 : i32
    %dma_wait3A_41 = tpu.memref_slice %arg7[%dma_wait3A, %dma_wait3A_40] : memref<512x64xf32, #tpu.memory_space<vmem>> -> memref<128x64xf32, #tpu.memory_space<vmem>>
    %dma_wait3A_42 = arith.constant 0 : i32
    %dma_wait3A_43 = tpu.memref_slice %arg6[%dma_wait3A_42] : memref<512xi32, #tpu.memory_space<vmem>> -> memref<128xi32, #tpu.memory_space<vmem>>
    %dma_wait3A_44 = arith.constant 0 : i32
    %dma_wait3A_45 = arith.constant 0 : i32
    %dma_wait3A_46 = tpu.memref_slice %arg3[%dma_wait3A_44, %dma_wait3A_45] : memref<1000000x64xf32, #tpu.memory_space<hbm>> -> memref<1000000x64xf32, #tpu.memory_space<hbm>>
    tpu.wait_indirect_dma semaphore(%arg11 : memref<!tpu.dma_semaphore, #tpu.memory_space<semaphore_mem>>) src(%dma_wait3A_46 : memref<1000000x64xf32, #tpu.memory_space<hbm>>) dst(%dma_wait3A_41 : memref<128x64xf32, #tpu.memory_space<vmem>>)
    %dma_wait3A_47 = arith.constant 128 : i32
    %dma_wait3A_48 = arith.constant 0 : i32
    %dma_wait3A_49 = tpu.memref_slice %arg7[%dma_wait3A_47, %dma_wait3A_48] : memref<512x64xf32, #tpu.memory_space<vmem>> -> memref<128x64xf32, #tpu.memory_space<vmem>>
    %dma_wait3A_50 = arith.constant 128 : i32
    %dma_wait3A_51 = tpu.memref_slice %arg6[%dma_wait3A_50] : memref<512xi32, #tpu.memory_space<vmem>> -> memref<128xi32, #tpu.memory_space<vmem>>
    %dma_wait3A_52 = arith.constant 0 : i32
    %dma_wait3A_53 = arith.constant 0 : i32
    %dma_wait3A_54 = tpu.memref_slice %arg3[%dma_wait3A_52, %dma_wait3A_53] : memref<1000000x64xf32, #tpu.memory_space<hbm>> -> memref<1000000x64xf32, #tpu.memory_space<hbm>>
    tpu.wait_indirect_dma semaphore(%arg11 : memref<!tpu.dma_semaphore, #tpu.memory_space<semaphore_mem>>) src(%dma_wait3A_54 : memref<1000000x64xf32, #tpu.memory_space<hbm>>) dst(%dma_wait3A_49 : memref<128x64xf32, #tpu.memory_space<vmem>>)
    %dma_wait3A_55 = arith.constant 256 : i32
    %dma_wait3A_56 = arith.constant 0 : i32
    %dma_wait3A_57 = tpu.memref_slice %arg7[%dma_wait3A_55, %dma_wait3A_56] : memref<512x64xf32, #tpu.memory_space<vmem>> -> memref<128x64xf32, #tpu.memory_space<vmem>>
    %dma_wait3A_58 = arith.constant 256 : i32
    %dma_wait3A_59 = tpu.memref_slice %arg6[%dma_wait3A_58] : memref<512xi32, #tpu.memory_space<vmem>> -> memref<128xi32, #tpu.memory_space<vmem>>
    %dma_wait3A_60 = arith.constant 0 : i32
    %dma_wait3A_61 = arith.constant 0 : i32
    %dma_wait3A_62 = tpu.memref_slice %arg3[%dma_wait3A_60, %dma_wait3A_61] : memref<1000000x64xf32, #tpu.memory_space<hbm>> -> memref<1000000x64xf32, #tpu.memory_space<hbm>>
    tpu.wait_indirect_dma semaphore(%arg11 : memref<!tpu.dma_semaphore, #tpu.memory_space<semaphore_mem>>) src(%dma_wait3A_62 : memref<1000000x64xf32, #tpu.memory_space<hbm>>) dst(%dma_wait3A_57 : memref<128x64xf32, #tpu.memory_space<vmem>>)
    %dma_wait3A_63 = arith.constant 384 : i32
    %dma_wait3A_64 = arith.constant 0 : i32
    %dma_wait3A_65 = tpu.memref_slice %arg7[%dma_wait3A_63, %dma_wait3A_64] : memref<512x64xf32, #tpu.memory_space<vmem>> -> memref<128x64xf32, #tpu.memory_space<vmem>>
    %dma_wait3A_66 = arith.constant 384 : i32
    %dma_wait3A_67 = tpu.memref_slice %arg6[%dma_wait3A_66] : memref<512xi32, #tpu.memory_space<vmem>> -> memref<128xi32, #tpu.memory_space<vmem>>
    %dma_wait3A_68 = arith.constant 0 : i32
    %dma_wait3A_69 = arith.constant 0 : i32
    %dma_wait3A_70 = tpu.memref_slice %arg3[%dma_wait3A_68, %dma_wait3A_69] : memref<1000000x64xf32, #tpu.memory_space<hbm>> -> memref<1000000x64xf32, #tpu.memory_space<hbm>>
    tpu.wait_indirect_dma semaphore(%arg11 : memref<!tpu.dma_semaphore, #tpu.memory_space<semaphore_mem>>) src(%dma_wait3A_70 : memref<1000000x64xf32, #tpu.memory_space<hbm>>) dst(%dma_wait3A_65 : memref<128x64xf32, #tpu.memory_space<vmem>>)
    "tpu.region"() ({
      %run_scoped3A = tpu.sem_alloc : memref<!tpu.dma_semaphore, #tpu.memory_space<semaphore_mem>>
      %dma_start3A_178 = arith.constant 0 : i32
      %dma_start3A_179 = tpu.memref_slice %arg4[%mul3A_7, %dma_start3A_178] : memref<16384x64xf32, #tpu.memory_space<hbm>> -> memref<512x64xf32, #tpu.memory_space<hbm>>
      %dma_start3A_180 = arith.constant 0 : i32
      %dma_start3A_181 = tpu.memref_slice %arg4[%mul3A_7, %dma_start3A_180] : memref<16384x64xf32, #tpu.memory_space<hbm>> -> memref<512x64xf32, #tpu.memory_space<hbm>>
      tpu.enqueue_dma source(%arg7 : memref<512x64xf32, #tpu.memory_space<vmem>>) target(%dma_start3A_181 : memref<512x64xf32, #tpu.memory_space<hbm>>) target_semaphore(%run_scoped3A : memref<!tpu.dma_semaphore, #tpu.memory_space<semaphore_mem>>)
      %dma_wait3A_182 = arith.constant 0 : i32
      %dma_wait3A_183 = tpu.memref_slice %arg4[%mul3A_7, %dma_wait3A_182] : memref<16384x64xf32, #tpu.memory_space<hbm>> -> memref<512x64xf32, #tpu.memory_space<hbm>>
      %dma_wait3A_184 = arith.constant 0 : i32
      %dma_wait3A_185 = tpu.memref_slice %arg4[%mul3A_7, %dma_wait3A_184] : memref<16384x64xf32, #tpu.memory_space<hbm>> -> memref<512x64xf32, #tpu.memory_space<hbm>>
      tpu.wait_dma2 semaphore(%run_scoped3A : memref<!tpu.dma_semaphore, #tpu.memory_space<semaphore_mem>>) src(%arg7 : memref<512x64xf32, #tpu.memory_space<vmem>>) dst(%dma_wait3A_185 : memref<512x64xf32, #tpu.memory_space<hbm>>)
      tpu.yield
    }) : () -> ()
    %dma_wait3A_71 = tpu.memref_slice %arg2[%add3A_4] : memref<819200xi32, #tpu.memory_space<hbm>> -> memref<25088xi32, #tpu.memory_space<hbm>>
    %dma_wait3A_72 = tpu.memref_slice %arg2[%add3A_4] : memref<819200xi32, #tpu.memory_space<hbm>> -> memref<25088xi32, #tpu.memory_space<hbm>>
    tpu.wait_dma2 semaphore(%arg12 : memref<!tpu.dma_semaphore, #tpu.memory_space<semaphore_mem>>) src(%dma_wait3A_72 : memref<25088xi32, #tpu.memory_space<hbm>>) dst(%arg8 : memref<25088xi32, #tpu.memory_space<vmem>>)
    %broadcast_in_dim3A = arith.constant 0.000000e+00 : f32
    %broadcast_in_dim3A_73 = vector.broadcast %broadcast_in_dim3A : f32 to vector<16xf32>
    %dma_start3A_74 = arith.constant 0 : i32
    %dma_start3A_75 = arith.constant 0 : i32
    %dma_start3A_76 = tpu.memref_slice %arg9[%dma_start3A_74, %dma_start3A_75] : memref<1024x64xf32, #tpu.memory_space<vmem>> -> memref<128x64xf32, #tpu.memory_space<vmem>>
    %dma_start3A_77 = arith.constant 0 : i32
    %dma_start3A_78 = tpu.memref_slice %arg8[%dma_start3A_77] : memref<25088xi32, #tpu.memory_space<vmem>> -> memref<128xi32, #tpu.memory_space<vmem>>
    %dma_start3A_79 = arith.constant 0 : i32
    %dma_start3A_80 = arith.constant 0 : i32
    %dma_start3A_81 = tpu.memref_slice %arg3[%dma_start3A_79, %dma_start3A_80] : memref<1000000x64xf32, #tpu.memory_space<hbm>> -> memref<1000000x64xf32, #tpu.memory_space<hbm>>
    tpu.enqueue_indirect_dma source(%dma_start3A_81 : memref<1000000x64xf32, #tpu.memory_space<hbm>>) target(%dma_start3A_76 : memref<128x64xf32, #tpu.memory_space<vmem>>) offsets(%dma_start3A_78 : memref<128xi32, #tpu.memory_space<vmem>>) semaphore(%arg13 : memref<!tpu.dma_semaphore, #tpu.memory_space<semaphore_mem>>)
    %dma_start3A_82 = arith.constant 128 : i32
    %dma_start3A_83 = arith.constant 0 : i32
    %dma_start3A_84 = tpu.memref_slice %arg9[%dma_start3A_82, %dma_start3A_83] : memref<1024x64xf32, #tpu.memory_space<vmem>> -> memref<128x64xf32, #tpu.memory_space<vmem>>
    %dma_start3A_85 = arith.constant 128 : i32
    %dma_start3A_86 = tpu.memref_slice %arg8[%dma_start3A_85] : memref<25088xi32, #tpu.memory_space<vmem>> -> memref<128xi32, #tpu.memory_space<vmem>>
    %dma_start3A_87 = arith.constant 0 : i32
    %dma_start3A_88 = arith.constant 0 : i32
    %dma_start3A_89 = tpu.memref_slice %arg3[%dma_start3A_87, %dma_start3A_88] : memref<1000000x64xf32, #tpu.memory_space<hbm>> -> memref<1000000x64xf32, #tpu.memory_space<hbm>>
    tpu.enqueue_indirect_dma source(%dma_start3A_89 : memref<1000000x64xf32, #tpu.memory_space<hbm>>) target(%dma_start3A_84 : memref<128x64xf32, #tpu.memory_space<vmem>>) offsets(%dma_start3A_86 : memref<128xi32, #tpu.memory_space<vmem>>) semaphore(%arg13 : memref<!tpu.dma_semaphore, #tpu.memory_space<semaphore_mem>>)
    %dma_start3A_90 = arith.constant 256 : i32
    %dma_start3A_91 = arith.constant 0 : i32
    %dma_start3A_92 = tpu.memref_slice %arg9[%dma_start3A_90, %dma_start3A_91] : memref<1024x64xf32, #tpu.memory_space<vmem>> -> memref<128x64xf32, #tpu.memory_space<vmem>>
    %dma_start3A_93 = arith.constant 256 : i32
    %dma_start3A_94 = tpu.memref_slice %arg8[%dma_start3A_93] : memref<25088xi32, #tpu.memory_space<vmem>> -> memref<128xi32, #tpu.memory_space<vmem>>
    %dma_start3A_95 = arith.constant 0 : i32
    %dma_start3A_96 = arith.constant 0 : i32
    %dma_start3A_97 = tpu.memref_slice %arg3[%dma_start3A_95, %dma_start3A_96] : memref<1000000x64xf32, #tpu.memory_space<hbm>> -> memref<1000000x64xf32, #tpu.memory_space<hbm>>
    tpu.enqueue_indirect_dma source(%dma_start3A_97 : memref<1000000x64xf32, #tpu.memory_space<hbm>>) target(%dma_start3A_92 : memref<128x64xf32, #tpu.memory_space<vmem>>) offsets(%dma_start3A_94 : memref<128xi32, #tpu.memory_space<vmem>>) semaphore(%arg13 : memref<!tpu.dma_semaphore, #tpu.memory_space<semaphore_mem>>)
    %dma_start3A_98 = arith.constant 384 : i32
    %dma_start3A_99 = arith.constant 0 : i32
    %dma_start3A_100 = tpu.memref_slice %arg9[%dma_start3A_98, %dma_start3A_99] : memref<1024x64xf32, #tpu.memory_space<vmem>> -> memref<128x64xf32, #tpu.memory_space<vmem>>
    %dma_start3A_101 = arith.constant 384 : i32
    %dma_start3A_102 = tpu.memref_slice %arg8[%dma_start3A_101] : memref<25088xi32, #tpu.memory_space<vmem>> -> memref<128xi32, #tpu.memory_space<vmem>>
    %dma_start3A_103 = arith.constant 0 : i32
    %dma_start3A_104 = arith.constant 0 : i32
    %dma_start3A_105 = tpu.memref_slice %arg3[%dma_start3A_103, %dma_start3A_104] : memref<1000000x64xf32, #tpu.memory_space<hbm>> -> memref<1000000x64xf32, #tpu.memory_space<hbm>>
    tpu.enqueue_indirect_dma source(%dma_start3A_105 : memref<1000000x64xf32, #tpu.memory_space<hbm>>) target(%dma_start3A_100 : memref<128x64xf32, #tpu.memory_space<vmem>>) offsets(%dma_start3A_102 : memref<128xi32, #tpu.memory_space<vmem>>) semaphore(%arg13 : memref<!tpu.dma_semaphore, #tpu.memory_space<semaphore_mem>>)
    %dma_start3A_106 = arith.constant 512 : i32
    %dma_start3A_107 = arith.constant 0 : i32
    %dma_start3A_108 = tpu.memref_slice %arg9[%dma_start3A_106, %dma_start3A_107] : memref<1024x64xf32, #tpu.memory_space<vmem>> -> memref<128x64xf32, #tpu.memory_space<vmem>>
    %dma_start3A_109 = arith.constant 512 : i32
    %dma_start3A_110 = tpu.memref_slice %arg8[%dma_start3A_109] : memref<25088xi32, #tpu.memory_space<vmem>> -> memref<128xi32, #tpu.memory_space<vmem>>
    %dma_start3A_111 = arith.constant 0 : i32
    %dma_start3A_112 = arith.constant 0 : i32
    %dma_start3A_113 = tpu.memref_slice %arg3[%dma_start3A_111, %dma_start3A_112] : memref<1000000x64xf32, #tpu.memory_space<hbm>> -> memref<1000000x64xf32, #tpu.memory_space<hbm>>
    tpu.enqueue_indirect_dma source(%dma_start3A_113 : memref<1000000x64xf32, #tpu.memory_space<hbm>>) target(%dma_start3A_108 : memref<128x64xf32, #tpu.memory_space<vmem>>) offsets(%dma_start3A_110 : memref<128xi32, #tpu.memory_space<vmem>>) semaphore(%arg14 : memref<!tpu.dma_semaphore, #tpu.memory_space<semaphore_mem>>)
    %dma_start3A_114 = arith.constant 640 : i32
    %dma_start3A_115 = arith.constant 0 : i32
    %dma_start3A_116 = tpu.memref_slice %arg9[%dma_start3A_114, %dma_start3A_115] : memref<1024x64xf32, #tpu.memory_space<vmem>> -> memref<128x64xf32, #tpu.memory_space<vmem>>
    %dma_start3A_117 = arith.constant 640 : i32
    %dma_start3A_118 = tpu.memref_slice %arg8[%dma_start3A_117] : memref<25088xi32, #tpu.memory_space<vmem>> -> memref<128xi32, #tpu.memory_space<vmem>>
    %dma_start3A_119 = arith.constant 0 : i32
    %dma_start3A_120 = arith.constant 0 : i32
    %dma_start3A_121 = tpu.memref_slice %arg3[%dma_start3A_119, %dma_start3A_120] : memref<1000000x64xf32, #tpu.memory_space<hbm>> -> memref<1000000x64xf32, #tpu.memory_space<hbm>>
    tpu.enqueue_indirect_dma source(%dma_start3A_121 : memref<1000000x64xf32, #tpu.memory_space<hbm>>) target(%dma_start3A_116 : memref<128x64xf32, #tpu.memory_space<vmem>>) offsets(%dma_start3A_118 : memref<128xi32, #tpu.memory_space<vmem>>) semaphore(%arg14 : memref<!tpu.dma_semaphore, #tpu.memory_space<semaphore_mem>>)
    %dma_start3A_122 = arith.constant 768 : i32
    %dma_start3A_123 = arith.constant 0 : i32
    %dma_start3A_124 = tpu.memref_slice %arg9[%dma_start3A_122, %dma_start3A_123] : memref<1024x64xf32, #tpu.memory_space<vmem>> -> memref<128x64xf32, #tpu.memory_space<vmem>>
    %dma_start3A_125 = arith.constant 768 : i32
    %dma_start3A_126 = tpu.memref_slice %arg8[%dma_start3A_125] : memref<25088xi32, #tpu.memory_space<vmem>> -> memref<128xi32, #tpu.memory_space<vmem>>
    %dma_start3A_127 = arith.constant 0 : i32
    %dma_start3A_128 = arith.constant 0 : i32
    %dma_start3A_129 = tpu.memref_slice %arg3[%dma_start3A_127, %dma_start3A_128] : memref<1000000x64xf32, #tpu.memory_space<hbm>> -> memref<1000000x64xf32, #tpu.memory_space<hbm>>
    tpu.enqueue_indirect_dma source(%dma_start3A_129 : memref<1000000x64xf32, #tpu.memory_space<hbm>>) target(%dma_start3A_124 : memref<128x64xf32, #tpu.memory_space<vmem>>) offsets(%dma_start3A_126 : memref<128xi32, #tpu.memory_space<vmem>>) semaphore(%arg14 : memref<!tpu.dma_semaphore, #tpu.memory_space<semaphore_mem>>)
    %dma_start3A_130 = arith.constant 896 : i32
    %dma_start3A_131 = arith.constant 0 : i32
    %dma_start3A_132 = tpu.memref_slice %arg9[%dma_start3A_130, %dma_start3A_131] : memref<1024x64xf32, #tpu.memory_space<vmem>> -> memref<128x64xf32, #tpu.memory_space<vmem>>
    %dma_start3A_133 = arith.constant 896 : i32
    %dma_start3A_134 = tpu.memref_slice %arg8[%dma_start3A_133] : memref<25088xi32, #tpu.memory_space<vmem>> -> memref<128xi32, #tpu.memory_space<vmem>>
    %dma_start3A_135 = arith.constant 0 : i32
    %dma_start3A_136 = arith.constant 0 : i32
    %dma_start3A_137 = tpu.memref_slice %arg3[%dma_start3A_135, %dma_start3A_136] : memref<1000000x64xf32, #tpu.memory_space<hbm>> -> memref<1000000x64xf32, #tpu.memory_space<hbm>>
    tpu.enqueue_indirect_dma source(%dma_start3A_137 : memref<1000000x64xf32, #tpu.memory_space<hbm>>) target(%dma_start3A_132 : memref<128x64xf32, #tpu.memory_space<vmem>>) offsets(%dma_start3A_134 : memref<128xi32, #tpu.memory_space<vmem>>) semaphore(%arg14 : memref<!tpu.dma_semaphore, #tpu.memory_space<semaphore_mem>>)
    %scan3A = arith.constant 0 : i32
    %scan3A_138 = arith.constant 24 : i32
    %scan3A_139 = arith.addi %scan3A, %scan3A_138 : i32
    %scan3A_140 = arith.constant 1 : i32
    %scan3A_141:4 = scf.for %scan3A_178 = %scan3A to %scan3A_139 step %scan3A_140 iter_args(%scan3A_179 = %broadcast_in_dim3A_73, %scan3A_180 = %broadcast_in_dim3A_73, %scan3A_181 = %broadcast_in_dim3A_73, %scan3A_182 = %broadcast_in_dim3A_73) -> (vector<16xf32>, vector<16xf32>, vector<16xf32>, vector<16xf32>)  : i32 {
      %mul3A_183 = arith.constant 2 : i32
      %mul3A_184 = arith.muli %mul3A_183, %scan3A_178 : i32
      %dma_wait3A_185 = arith.constant 0 : i32
      %dma_wait3A_186 = arith.constant 0 : i32
      %dma_wait3A_187 = tpu.memref_slice %arg9[%dma_wait3A_185, %dma_wait3A_186] : memref<1024x64xf32, #tpu.memory_space<vmem>> -> memref<512x64xf32, #tpu.memory_space<vmem>>
      %dma_wait3A_188 = arith.constant 0 : i32
      %dma_wait3A_189 = arith.constant 0 : i32
      %dma_wait3A_190 = tpu.memref_slice %arg3[%dma_wait3A_188, %dma_wait3A_189] : memref<1000000x64xf32, #tpu.memory_space<hbm>> -> memref<512x64xf32, #tpu.memory_space<hbm>>
      %dma_wait3A_191 = arith.constant 0 : i32
      %dma_wait3A_192 = arith.constant 0 : i32
      %dma_wait3A_193 = tpu.memref_slice %arg9[%dma_wait3A_191, %dma_wait3A_192] : memref<1024x64xf32, #tpu.memory_space<vmem>> -> memref<512x64xf32, #tpu.memory_space<vmem>>
      %dma_wait3A_194 = arith.constant 0 : i32
      %dma_wait3A_195 = arith.constant 0 : i32
      %dma_wait3A_196 = tpu.memref_slice %arg3[%dma_wait3A_194, %dma_wait3A_195] : memref<1000000x64xf32, #tpu.memory_space<hbm>> -> memref<512x64xf32, #tpu.memory_space<hbm>>
      tpu.wait_dma2 semaphore(%arg13 : memref<!tpu.dma_semaphore, #tpu.memory_space<semaphore_mem>>) src(%dma_wait3A_196 : memref<512x64xf32, #tpu.memory_space<hbm>>) dst(%dma_wait3A_193 : memref<512x64xf32, #tpu.memory_space<vmem>>)
      %scan3A_197 = arith.constant 0 : i32
      %scan3A_198 = arith.constant 64 : i32
      %scan3A_199 = arith.addi %scan3A_197, %scan3A_198 : i32
      %scan3A_200 = arith.constant 1 : i32
      %scan3A_201:4 = scf.for %scan3A_232 = %scan3A_197 to %scan3A_199 step %scan3A_200 iter_args(%scan3A_233 = %scan3A_179, %scan3A_234 = %scan3A_180, %scan3A_235 = %scan3A_181, %scan3A_236 = %scan3A_182) -> (vector<16xf32>, vector<16xf32>, vector<16xf32>, vector<16xf32>)  : i32 {
        %mul3A_237 = arith.constant 8 : i32
        %mul3A_238 = arith.muli %scan3A_232, %mul3A_237 : i32
        %add3A_239 = arith.constant 0 : i32
        %add3A_240 = arith.addi %add3A_239, %mul3A_238 : i32
        %add3A_241 = arith.constant 0 : i32
        %add3A_242 = arith.addi %add3A_240, %add3A_241 : i32
        %get3A = arith.index_cast %add3A_242 : i32 to index
        %get3A_243 = arith.constant 0 : index
        %get3A_244 = tpu.vector_load %arg9[%get3A, %get3A_243] {strides = array<i32>} : memref<1024x64xf32, #tpu.memory_space<vmem>>, vector<1x16xf32>,
        %get3A_245 = vector.shape_cast %get3A_244 : vector<1x16xf32> to vector<16xf32>
        %add3A_246 = arith.addf %scan3A_233, %get3A_245 : vector<16xf32>
        %get3A_247 = arith.index_cast %add3A_242 : i32 to index
        %get3A_248 = arith.constant 16 : index
        %get3A_249 = tpu.vector_load %arg9[%get3A_247, %get3A_248] {strides = array<i32>} : memref<1024x64xf32, #tpu.memory_space<vmem>>, vector<1x16xf32>,
        %get3A_250 = vector.shape_cast %get3A_249 : vector<1x16xf32> to vector<16xf32>
        %add3A_251 = arith.addf %scan3A_234, %get3A_250 : vector<16xf32>
        %get3A_252 = arith.index_cast %add3A_242 : i32 to index
        %get3A_253 = arith.constant 32 : index
        %get3A_254 = tpu.vector_load %arg9[%get3A_252, %get3A_253] {strides = array<i32>} : memref<1024x64xf32, #tpu.memory_space<vmem>>, vector<1x16xf32>,
        %get3A_255 = vector.shape_cast %get3A_254 : vector<1x16xf32> to vector<16xf32>
        %add3A_256 = arith.addf %scan3A_235, %get3A_255 : vector<16xf32>
        %get3A_257 = arith.index_cast %add3A_242 : i32 to index
        %get3A_258 = arith.constant 48 : index
        %get3A_259 = tpu.vector_load %arg9[%get3A_257, %get3A_258] {strides = array<i32>} : memref<1024x64xf32, #tpu.memory_space<vmem>>, vector<1x16xf32>,
        %get3A_260 = vector.shape_cast %get3A_259 : vector<1x16xf32> to vector<16xf32>
        %add3A_261 = arith.addf %scan3A_236, %get3A_260 : vector<16xf32>
        %add3A_262 = arith.constant 1 : i32
        %add3A_263 = arith.addi %add3A_240, %add3A_262 : i32
        %get3A_264 = arith.index_cast %add3A_263 : i32 to index
        %get3A_265 = arith.constant 0 : index
        %get3A_266 = tpu.vector_load %arg9[%get3A_264, %get3A_265] {strides = array<i32>} : memref<1024x64xf32, #tpu.memory_space<vmem>>, vector<1x16xf32>,
        %get3A_267 = vector.shape_cast %get3A_266 : vector<1x16xf32> to vector<16xf32>
        %add3A_268 = arith.addf %add3A_246, %get3A_267 : vector<16xf32>
        %get3A_269 = arith.index_cast %add3A_263 : i32 to index
        %get3A_270 = arith.constant 16 : index
        %get3A_271 = tpu.vector_load %arg9[%get3A_269, %get3A_270] {strides = array<i32>} : memref<1024x64xf32, #tpu.memory_space<vmem>>, vector<1x16xf32>,
        %get3A_272 = vector.shape_cast %get3A_271 : vector<1x16xf32> to vector<16xf32>
        %add3A_273 = arith.addf %add3A_251, %get3A_272 : vector<16xf32>
        %get3A_274 = arith.index_cast %add3A_263 : i32 to index
        %get3A_275 = arith.constant 32 : index
        %get3A_276 = tpu.vector_load %arg9[%get3A_274, %get3A_275] {strides = array<i32>} : memref<1024x64xf32, #tpu.memory_space<vmem>>, vector<1x16xf32>,
        %get3A_277 = vector.shape_cast %get3A_276 : vector<1x16xf32> to vector<16xf32>
        %add3A_278 = arith.addf %add3A_256, %get3A_277 : vector<16xf32>
        %get3A_279 = arith.index_cast %add3A_263 : i32 to index
        %get3A_280 = arith.constant 48 : index
        %get3A_281 = tpu.vector_load %arg9[%get3A_279, %get3A_280] {strides = array<i32>} : memref<1024x64xf32, #tpu.memory_space<vmem>>, vector<1x16xf32>,
        %get3A_282 = vector.shape_cast %get3A_281 : vector<1x16xf32> to vector<16xf32>
        %add3A_283 = arith.addf %add3A_261, %get3A_282 : vector<16xf32>
        %add3A_284 = arith.constant 2 : i32
        %add3A_285 = arith.addi %add3A_240, %add3A_284 : i32
        %get3A_286 = arith.index_cast %add3A_285 : i32 to index
        %get3A_287 = arith.constant 0 : index
        %get3A_288 = tpu.vector_load %arg9[%get3A_286, %get3A_287] {strides = array<i32>} : memref<1024x64xf32, #tpu.memory_space<vmem>>, vector<1x16xf32>,
        %get3A_289 = vector.shape_cast %get3A_288 : vector<1x16xf32> to vector<16xf32>
        %add3A_290 = arith.addf %add3A_268, %get3A_289 : vector<16xf32>
        %get3A_291 = arith.index_cast %add3A_285 : i32 to index
        %get3A_292 = arith.constant 16 : index
        %get3A_293 = tpu.vector_load %arg9[%get3A_291, %get3A_292] {strides = array<i32>} : memref<1024x64xf32, #tpu.memory_space<vmem>>, vector<1x16xf32>,
        %get3A_294 = vector.shape_cast %get3A_293 : vector<1x16xf32> to vector<16xf32>
        %add3A_295 = arith.addf %add3A_273, %get3A_294 : vector<16xf32>
        %get3A_296 = arith.index_cast %add3A_285 : i32 to index
        %get3A_297 = arith.constant 32 : index
        %get3A_298 = tpu.vector_load %arg9[%get3A_296, %get3A_297] {strides = array<i32>} : memref<1024x64xf32, #tpu.memory_space<vmem>>, vector<1x16xf32>,
        %get3A_299 = vector.shape_cast %get3A_298 : vector<1x16xf32> to vector<16xf32>
        %add3A_300 = arith.addf %add3A_278, %get3A_299 : vector<16xf32>
        %get3A_301 = arith.index_cast %add3A_285 : i32 to index
        %get3A_302 = arith.constant 48 : index
        %get3A_303 = tpu.vector_load %arg9[%get3A_301, %get3A_302] {strides = array<i32>} : memref<1024x64xf32, #tpu.memory_space<vmem>>, vector<1x16xf32>,
        %get3A_304 = vector.shape_cast %get3A_303 : vector<1x16xf32> to vector<16xf32>
        %add3A_305 = arith.addf %add3A_283, %get3A_304 : vector<16xf32>
        %add3A_306 = arith.constant 3 : i32
        %add3A_307 = arith.addi %add3A_240, %add3A_306 : i32
        %get3A_308 = arith.index_cast %add3A_307 : i32 to index
        %get3A_309 = arith.constant 0 : index
        %get3A_310 = tpu.vector_load %arg9[%get3A_308, %get3A_309] {strides = array<i32>} : memref<1024x64xf32, #tpu.memory_space<vmem>>, vector<1x16xf32>,
        %get3A_311 = vector.shape_cast %get3A_310 : vector<1x16xf32> to vector<16xf32>
        %add3A_312 = arith.addf %add3A_290, %get3A_311 : vector<16xf32>
        %get3A_313 = arith.index_cast %add3A_307 : i32 to index
        %get3A_314 = arith.constant 16 : index
        %get3A_315 = tpu.vector_load %arg9[%get3A_313, %get3A_314] {strides = array<i32>} : memref<1024x64xf32, #tpu.memory_space<vmem>>, vector<1x16xf32>,
        %get3A_316 = vector.shape_cast %get3A_315 : vector<1x16xf32> to vector<16xf32>
        %add3A_317 = arith.addf %add3A_295, %get3A_316 : vector<16xf32>
        %get3A_318 = arith.index_cast %add3A_307 : i32 to index
        %get3A_319 = arith.constant 32 : index
        %get3A_320 = tpu.vector_load %arg9[%get3A_318, %get3A_319] {strides = array<i32>} : memref<1024x64xf32, #tpu.memory_space<vmem>>, vector<1x16xf32>,
        %get3A_321 = vector.shape_cast %get3A_320 : vector<1x16xf32> to vector<16xf32>
        %add3A_322 = arith.addf %add3A_300, %get3A_321 : vector<16xf32>
        %get3A_323 = arith.index_cast %add3A_307 : i32 to index
        %get3A_324 = arith.constant 48 : index
        %get3A_325 = tpu.vector_load %arg9[%get3A_323, %get3A_324] {strides = array<i32>} : memref<1024x64xf32, #tpu.memory_space<vmem>>, vector<1x16xf32>,
        %get3A_326 = vector.shape_cast %get3A_325 : vector<1x16xf32> to vector<16xf32>
        %add3A_327 = arith.addf %add3A_305, %get3A_326 : vector<16xf32>
        %add3A_328 = arith.constant 4 : i32
        %add3A_329 = arith.addi %add3A_240, %add3A_328 : i32
        %get3A_330 = arith.index_cast %add3A_329 : i32 to index
        %get3A_331 = arith.constant 0 : index
        %get3A_332 = tpu.vector_load %arg9[%get3A_330, %get3A_331] {strides = array<i32>} : memref<1024x64xf32, #tpu.memory_space<vmem>>, vector<1x16xf32>,
        %get3A_333 = vector.shape_cast %get3A_332 : vector<1x16xf32> to vector<16xf32>
        %add3A_334 = arith.addf %add3A_312, %get3A_333 : vector<16xf32>
        %get3A_335 = arith.index_cast %add3A_329 : i32 to index
        %get3A_336 = arith.constant 16 : index
        %get3A_337 = tpu.vector_load %arg9[%get3A_335, %get3A_336] {strides = array<i32>} : memref<1024x64xf32, #tpu.memory_space<vmem>>, vector<1x16xf32>,
        %get3A_338 = vector.shape_cast %get3A_337 : vector<1x16xf32> to vector<16xf32>
        %add3A_339 = arith.addf %add3A_317, %get3A_338 : vector<16xf32>
        %get3A_340 = arith.index_cast %add3A_329 : i32 to index
        %get3A_341 = arith.constant 32 : index
        %get3A_342 = tpu.vector_load %arg9[%get3A_340, %get3A_341] {strides = array<i32>} : memref<1024x64xf32, #tpu.memory_space<vmem>>, vector<1x16xf32>,
        %get3A_343 = vector.shape_cast %get3A_342 : vector<1x16xf32> to vector<16xf32>
        %add3A_344 = arith.addf %add3A_322, %get3A_343 : vector<16xf32>
        %get3A_345 = arith.index_cast %add3A_329 : i32 to index
        %get3A_346 = arith.constant 48 : index
        %get3A_347 = tpu.vector_load %arg9[%get3A_345, %get3A_346] {strides = array<i32>} : memref<1024x64xf32, #tpu.memory_space<vmem>>, vector<1x16xf32>,
        %get3A_348 = vector.shape_cast %get3A_347 : vector<1x16xf32> to vector<16xf32>
        %add3A_349 = arith.addf %add3A_327, %get3A_348 : vector<16xf32>
        %add3A_350 = arith.constant 5 : i32
        %add3A_351 = arith.addi %add3A_240, %add3A_350 : i32
        %get3A_352 = arith.index_cast %add3A_351 : i32 to index
        %get3A_353 = arith.constant 0 : index
        %get3A_354 = tpu.vector_load %arg9[%get3A_352, %get3A_353] {strides = array<i32>} : memref<1024x64xf32, #tpu.memory_space<vmem>>, vector<1x16xf32>,
        %get3A_355 = vector.shape_cast %get3A_354 : vector<1x16xf32> to vector<16xf32>
        %add3A_356 = arith.addf %add3A_334, %get3A_355 : vector<16xf32>
        %get3A_357 = arith.index_cast %add3A_351 : i32 to index
        %get3A_358 = arith.constant 16 : index
        %get3A_359 = tpu.vector_load %arg9[%get3A_357, %get3A_358] {strides = array<i32>} : memref<1024x64xf32, #tpu.memory_space<vmem>>, vector<1x16xf32>,
        %get3A_360 = vector.shape_cast %get3A_359 : vector<1x16xf32> to vector<16xf32>
        %add3A_361 = arith.addf %add3A_339, %get3A_360 : vector<16xf32>
        %get3A_362 = arith.index_cast %add3A_351 : i32 to index
        %get3A_363 = arith.constant 32 : index
        %get3A_364 = tpu.vector_load %arg9[%get3A_362, %get3A_363] {strides = array<i32>} : memref<1024x64xf32, #tpu.memory_space<vmem>>, vector<1x16xf32>,
        %get3A_365 = vector.shape_cast %get3A_364 : vector<1x16xf32> to vector<16xf32>
        %add3A_366 = arith.addf %add3A_344, %get3A_365 : vector<16xf32>
        %get3A_367 = arith.index_cast %add3A_351 : i32 to index
        %get3A_368 = arith.constant 48 : index
        %get3A_369 = tpu.vector_load %arg9[%get3A_367, %get3A_368] {strides = array<i32>} : memref<1024x64xf32, #tpu.memory_space<vmem>>, vector<1x16xf32>,
        %get3A_370 = vector.shape_cast %get3A_369 : vector<1x16xf32> to vector<16xf32>
        %add3A_371 = arith.addf %add3A_349, %get3A_370 : vector<16xf32>
        %add3A_372 = arith.constant 6 : i32
        %add3A_373 = arith.addi %add3A_240, %add3A_372 : i32
        %get3A_374 = arith.index_cast %add3A_373 : i32 to index
        %get3A_375 = arith.constant 0 : index
        %get3A_376 = tpu.vector_load %arg9[%get3A_374, %get3A_375] {strides = array<i32>} : memref<1024x64xf32, #tpu.memory_space<vmem>>, vector<1x16xf32>,
        %get3A_377 = vector.shape_cast %get3A_376 : vector<1x16xf32> to vector<16xf32>
        %add3A_378 = arith.addf %add3A_356, %get3A_377 : vector<16xf32>
        %get3A_379 = arith.index_cast %add3A_373 : i32 to index
        %get3A_380 = arith.constant 16 : index
        %get3A_381 = tpu.vector_load %arg9[%get3A_379, %get3A_380] {strides = array<i32>} : memref<1024x64xf32, #tpu.memory_space<vmem>>, vector<1x16xf32>,
        %get3A_382 = vector.shape_cast %get3A_381 : vector<1x16xf32> to vector<16xf32>
        %add3A_383 = arith.addf %add3A_361, %get3A_382 : vector<16xf32>
        %get3A_384 = arith.index_cast %add3A_373 : i32 to index
        %get3A_385 = arith.constant 32 : index
        %get3A_386 = tpu.vector_load %arg9[%get3A_384, %get3A_385] {strides = array<i32>} : memref<1024x64xf32, #tpu.memory_space<vmem>>, vector<1x16xf32>,
        %get3A_387 = vector.shape_cast %get3A_386 : vector<1x16xf32> to vector<16xf32>
        %add3A_388 = arith.addf %add3A_366, %get3A_387 : vector<16xf32>
        %get3A_389 = arith.index_cast %add3A_373 : i32 to index
        %get3A_390 = arith.constant 48 : index
        %get3A_391 = tpu.vector_load %arg9[%get3A_389, %get3A_390] {strides = array<i32>} : memref<1024x64xf32, #tpu.memory_space<vmem>>, vector<1x16xf32>,
        %get3A_392 = vector.shape_cast %get3A_391 : vector<1x16xf32> to vector<16xf32>
        %add3A_393 = arith.addf %add3A_371, %get3A_392 : vector<16xf32>
        %add3A_394 = arith.constant 7 : i32
        %add3A_395 = arith.addi %add3A_240, %add3A_394 : i32
        %get3A_396 = arith.index_cast %add3A_395 : i32 to index
        %get3A_397 = arith.constant 0 : index
        %get3A_398 = tpu.vector_load %arg9[%get3A_396, %get3A_397] {strides = array<i32>} : memref<1024x64xf32, #tpu.memory_space<vmem>>, vector<1x16xf32>,
        %get3A_399 = vector.shape_cast %get3A_398 : vector<1x16xf32> to vector<16xf32>
        %add3A_400 = arith.addf %add3A_378, %get3A_399 : vector<16xf32>
        %get3A_401 = arith.index_cast %add3A_395 : i32 to index
        %get3A_402 = arith.constant 16 : index
        %get3A_403 = tpu.vector_load %arg9[%get3A_401, %get3A_402] {strides = array<i32>} : memref<1024x64xf32, #tpu.memory_space<vmem>>, vector<1x16xf32>,
        %get3A_404 = vector.shape_cast %get3A_403 : vector<1x16xf32> to vector<16xf32>
        %add3A_405 = arith.addf %add3A_383, %get3A_404 : vector<16xf32>
        %get3A_406 = arith.index_cast %add3A_395 : i32 to index
        %get3A_407 = arith.constant 32 : index
        %get3A_408 = tpu.vector_load %arg9[%get3A_406, %get3A_407] {strides = array<i32>} : memref<1024x64xf32, #tpu.memory_space<vmem>>, vector<1x16xf32>,
        %get3A_409 = vector.shape_cast %get3A_408 : vector<1x16xf32> to vector<16xf32>
        %add3A_410 = arith.addf %add3A_388, %get3A_409 : vector<16xf32>
        %get3A_411 = arith.index_cast %add3A_395 : i32 to index
        %get3A_412 = arith.constant 48 : index
        %get3A_413 = tpu.vector_load %arg9[%get3A_411, %get3A_412] {strides = array<i32>} : memref<1024x64xf32, #tpu.memory_space<vmem>>, vector<1x16xf32>,
        %get3A_414 = vector.shape_cast %get3A_413 : vector<1x16xf32> to vector<16xf32>
        %add3A_415 = arith.addf %add3A_393, %get3A_414 : vector<16xf32>
        scf.yield %add3A_400, %add3A_405, %add3A_410, %add3A_415 : vector<16xf32>, vector<16xf32>, vector<16xf32>, vector<16xf32>
      }
      %scan3A_202 = arith.constant 64 : i32
      %add3A_203 = arith.constant 2 : i32
      %add3A_204 = arith.addi %mul3A_184, %add3A_203 : i32
      %lt3A = arith.constant 49 : i32
      %lt3A_205 = arith.cmpi slt, %add3A_204, %lt3A : i32
      %convert_element_type3A = arith.extui %lt3A_205 : i1 to i32
      %cond3A = arith.constant 0 : i32
      %cond3A_206 = arith.cmpi ne, %convert_element_type3A, %cond3A : i32
      scf.if %cond3A_206 {
        %add3A_232 = arith.constant 2 : i32
        %add3A_233 = arith.addi %mul3A_184, %add3A_232 : i32
        %mul3A_234 = arith.constant 512 : i32
        %mul3A_235 = arith.muli %add3A_233, %mul3A_234 : i32
        %add3A_236 = arith.constant 0 : i32
        %add3A_237 = arith.addi %mul3A_235, %add3A_236 : i32
        %dma_start3A_238 = arith.constant 0 : i32
        %dma_start3A_239 = arith.constant 0 : i32
        %dma_start3A_240 = tpu.memref_slice %arg9[%dma_start3A_238, %dma_start3A_239] : memref<1024x64xf32, #tpu.memory_space<vmem>> -> memref<128x64xf32, #tpu.memory_space<vmem>>
        %dma_start3A_241 = tpu.memref_slice %arg8[%add3A_237] : memref<25088xi32, #tpu.memory_space<vmem>> -> memref<128xi32, #tpu.memory_space<vmem>>
        %dma_start3A_242 = arith.constant 0 : i32
        %dma_start3A_243 = arith.constant 0 : i32
        %dma_start3A_244 = tpu.memref_slice %arg3[%dma_start3A_242, %dma_start3A_243] : memref<1000000x64xf32, #tpu.memory_space<hbm>> -> memref<1000000x64xf32, #tpu.memory_space<hbm>>
        tpu.enqueue_indirect_dma source(%dma_start3A_244 : memref<1000000x64xf32, #tpu.memory_space<hbm>>) target(%dma_start3A_240 : memref<128x64xf32, #tpu.memory_space<vmem>>) offsets(%dma_start3A_241 : memref<128xi32, #tpu.memory_space<vmem>>) semaphore(%arg13 : memref<!tpu.dma_semaphore, #tpu.memory_space<semaphore_mem>>)
        %mul3A_245 = arith.constant 512 : i32
        %mul3A_246 = arith.muli %add3A_233, %mul3A_245 : i32
        %add3A_247 = arith.constant 128 : i32
        %add3A_248 = arith.addi %mul3A_246, %add3A_247 : i32
        %dma_start3A_249 = arith.constant 128 : i32
        %dma_start3A_250 = arith.constant 0 : i32
        %dma_start3A_251 = tpu.memref_slice %arg9[%dma_start3A_249, %dma_start3A_250] : memref<1024x64xf32, #tpu.memory_space<vmem>> -> memref<128x64xf32, #tpu.memory_space<vmem>>
        %dma_start3A_252 = tpu.memref_slice %arg8[%add3A_248] : memref<25088xi32, #tpu.memory_space<vmem>> -> memref<128xi32, #tpu.memory_space<vmem>>
        %dma_start3A_253 = arith.constant 0 : i32
        %dma_start3A_254 = arith.constant 0 : i32
        %dma_start3A_255 = tpu.memref_slice %arg3[%dma_start3A_253, %dma_start3A_254] : memref<1000000x64xf32, #tpu.memory_space<hbm>> -> memref<1000000x64xf32, #tpu.memory_space<hbm>>
        tpu.enqueue_indirect_dma source(%dma_start3A_255 : memref<1000000x64xf32, #tpu.memory_space<hbm>>) target(%dma_start3A_251 : memref<128x64xf32, #tpu.memory_space<vmem>>) offsets(%dma_start3A_252 : memref<128xi32, #tpu.memory_space<vmem>>) semaphore(%arg13 : memref<!tpu.dma_semaphore, #tpu.memory_space<semaphore_mem>>)
        %mul3A_256 = arith.constant 512 : i32
        %mul3A_257 = arith.muli %add3A_233, %mul3A_256 : i32
        %add3A_258 = arith.constant 256 : i32
        %add3A_259 = arith.addi %mul3A_257, %add3A_258 : i32
        %dma_start3A_260 = arith.constant 256 : i32
        %dma_start3A_261 = arith.constant 0 : i32
        %dma_start3A_262 = tpu.memref_slice %arg9[%dma_start3A_260, %dma_start3A_261] : memref<1024x64xf32, #tpu.memory_space<vmem>> -> memref<128x64xf32, #tpu.memory_space<vmem>>
        %dma_start3A_263 = tpu.memref_slice %arg8[%add3A_259] : memref<25088xi32, #tpu.memory_space<vmem>> -> memref<128xi32, #tpu.memory_space<vmem>>
        %dma_start3A_264 = arith.constant 0 : i32
        %dma_start3A_265 = arith.constant 0 : i32
        %dma_start3A_266 = tpu.memref_slice %arg3[%dma_start3A_264, %dma_start3A_265] : memref<1000000x64xf32, #tpu.memory_space<hbm>> -> memref<1000000x64xf32, #tpu.memory_space<hbm>>
        tpu.enqueue_indirect_dma source(%dma_start3A_266 : memref<1000000x64xf32, #tpu.memory_space<hbm>>) target(%dma_start3A_262 : memref<128x64xf32, #tpu.memory_space<vmem>>) offsets(%dma_start3A_263 : memref<128xi32, #tpu.memory_space<vmem>>) semaphore(%arg13 : memref<!tpu.dma_semaphore, #tpu.memory_space<semaphore_mem>>)
        %mul3A_267 = arith.constant 512 : i32
        %mul3A_268 = arith.muli %add3A_233, %mul3A_267 : i32
        %add3A_269 = arith.constant 384 : i32
        %add3A_270 = arith.addi %mul3A_268, %add3A_269 : i32
        %dma_start3A_271 = arith.constant 384 : i32
        %dma_start3A_272 = arith.constant 0 : i32
        %dma_start3A_273 = tpu.memref_slice %arg9[%dma_start3A_271, %dma_start3A_272] : memref<1024x64xf32, #tpu.memory_space<vmem>> -> memref<128x64xf32, #tpu.memory_space<vmem>>
        %dma_start3A_274 = tpu.memref_slice %arg8[%add3A_270] : memref<25088xi32, #tpu.memory_space<vmem>> -> memref<128xi32, #tpu.memory_space<vmem>>
        %dma_start3A_275 = arith.constant 0 : i32
        %dma_start3A_276 = arith.constant 0 : i32
        %dma_start3A_277 = tpu.memref_slice %arg3[%dma_start3A_275, %dma_start3A_276] : memref<1000000x64xf32, #tpu.memory_space<hbm>> -> memref<1000000x64xf32, #tpu.memory_space<hbm>>
        tpu.enqueue_indirect_dma source(%dma_start3A_277 : memref<1000000x64xf32, #tpu.memory_space<hbm>>) target(%dma_start3A_273 : memref<128x64xf32, #tpu.memory_space<vmem>>) offsets(%dma_start3A_274 : memref<128xi32, #tpu.memory_space<vmem>>) semaphore(%arg13 : memref<!tpu.dma_semaphore, #tpu.memory_space<semaphore_mem>>)
      } else {
      }
      %dma_wait3A_207 = arith.constant 512 : i32
      %dma_wait3A_208 = arith.constant 0 : i32
      %dma_wait3A_209 = tpu.memref_slice %arg9[%dma_wait3A_207, %dma_wait3A_208] : memref<1024x64xf32, #tpu.memory_space<vmem>> -> memref<512x64xf32, #tpu.memory_space<vmem>>
      %dma_wait3A_210 = arith.constant 0 : i32
      %dma_wait3A_211 = arith.constant 0 : i32
      %dma_wait3A_212 = tpu.memref_slice %arg3[%dma_wait3A_210, %dma_wait3A_211] : memref<1000000x64xf32, #tpu.memory_space<hbm>> -> memref<512x64xf32, #tpu.memory_space<hbm>>
      %dma_wait3A_213 = arith.constant 512 : i32
      %dma_wait3A_214 = arith.constant 0 : i32
      %dma_wait3A_215 = tpu.memref_slice %arg9[%dma_wait3A_213, %dma_wait3A_214] : memref<1024x64xf32, #tpu.memory_space<vmem>> -> memref<512x64xf32, #tpu.memory_space<vmem>>
      %dma_wait3A_216 = arith.constant 0 : i32
      %dma_wait3A_217 = arith.constant 0 : i32
      %dma_wait3A_218 = tpu.memref_slice %arg3[%dma_wait3A_216, %dma_wait3A_217] : memref<1000000x64xf32, #tpu.memory_space<hbm>> -> memref<512x64xf32, #tpu.memory_space<hbm>>
      tpu.wait_dma2 semaphore(%arg14 : memref<!tpu.dma_semaphore, #tpu.memory_space<semaphore_mem>>) src(%dma_wait3A_218 : memref<512x64xf32, #tpu.memory_space<hbm>>) dst(%dma_wait3A_215 : memref<512x64xf32, #tpu.memory_space<vmem>>)
      %scan3A_219 = arith.constant 0 : i32
      %scan3A_220 = arith.constant 64 : i32
      %scan3A_221 = arith.addi %scan3A_219, %scan3A_220 : i32
      %scan3A_222 = arith.constant 1 : i32
      %scan3A_223:4 = scf.for %scan3A_232 = %scan3A_219 to %scan3A_221 step %scan3A_222 iter_args(%scan3A_233 = %scan3A_201#0, %scan3A_234 = %scan3A_201#1, %scan3A_235 = %scan3A_201#2, %scan3A_236 = %scan3A_201#3) -> (vector<16xf32>, vector<16xf32>, vector<16xf32>, vector<16xf32>)  : i32 {
        %mul3A_237 = arith.constant 8 : i32
        %mul3A_238 = arith.muli %scan3A_232, %mul3A_237 : i32
        %add3A_239 = arith.constant 512 : i32
        %add3A_240 = arith.addi %add3A_239, %mul3A_238 : i32
        %add3A_241 = arith.constant 0 : i32
        %add3A_242 = arith.addi %add3A_240, %add3A_241 : i32
        %get3A = arith.index_cast %add3A_242 : i32 to index
        %get3A_243 = arith.constant 0 : index
        %get3A_244 = tpu.vector_load %arg9[%get3A, %get3A_243] {strides = array<i32>} : memref<1024x64xf32, #tpu.memory_space<vmem>>, vector<1x16xf32>,
        %get3A_245 = vector.shape_cast %get3A_244 : vector<1x16xf32> to vector<16xf32>
        %add3A_246 = arith.addf %scan3A_233, %get3A_245 : vector<16xf32>
        %get3A_247 = arith.index_cast %add3A_242 : i32 to index
        %get3A_248 = arith.constant 16 : index
        %get3A_249 = tpu.vector_load %arg9[%get3A_247, %get3A_248] {strides = array<i32>} : memref<1024x64xf32, #tpu.memory_space<vmem>>, vector<1x16xf32>,
        %get3A_250 = vector.shape_cast %get3A_249 : vector<1x16xf32> to vector<16xf32>
        %add3A_251 = arith.addf %scan3A_234, %get3A_250 : vector<16xf32>
        %get3A_252 = arith.index_cast %add3A_242 : i32 to index
        %get3A_253 = arith.constant 32 : index
        %get3A_254 = tpu.vector_load %arg9[%get3A_252, %get3A_253] {strides = array<i32>} : memref<1024x64xf32, #tpu.memory_space<vmem>>, vector<1x16xf32>,
        %get3A_255 = vector.shape_cast %get3A_254 : vector<1x16xf32> to vector<16xf32>
        %add3A_256 = arith.addf %scan3A_235, %get3A_255 : vector<16xf32>
        %get3A_257 = arith.index_cast %add3A_242 : i32 to index
        %get3A_258 = arith.constant 48 : index
        %get3A_259 = tpu.vector_load %arg9[%get3A_257, %get3A_258] {strides = array<i32>} : memref<1024x64xf32, #tpu.memory_space<vmem>>, vector<1x16xf32>,
        %get3A_260 = vector.shape_cast %get3A_259 : vector<1x16xf32> to vector<16xf32>
        %add3A_261 = arith.addf %scan3A_236, %get3A_260 : vector<16xf32>
        %add3A_262 = arith.constant 1 : i32
        %add3A_263 = arith.addi %add3A_240, %add3A_262 : i32
        %get3A_264 = arith.index_cast %add3A_263 : i32 to index
        %get3A_265 = arith.constant 0 : index
        %get3A_266 = tpu.vector_load %arg9[%get3A_264, %get3A_265] {strides = array<i32>} : memref<1024x64xf32, #tpu.memory_space<vmem>>, vector<1x16xf32>,
        %get3A_267 = vector.shape_cast %get3A_266 : vector<1x16xf32> to vector<16xf32>
        %add3A_268 = arith.addf %add3A_246, %get3A_267 : vector<16xf32>
        %get3A_269 = arith.index_cast %add3A_263 : i32 to index
        %get3A_270 = arith.constant 16 : index
        %get3A_271 = tpu.vector_load %arg9[%get3A_269, %get3A_270] {strides = array<i32>} : memref<1024x64xf32, #tpu.memory_space<vmem>>, vector<1x16xf32>,
        %get3A_272 = vector.shape_cast %get3A_271 : vector<1x16xf32> to vector<16xf32>
        %add3A_273 = arith.addf %add3A_251, %get3A_272 : vector<16xf32>
        %get3A_274 = arith.index_cast %add3A_263 : i32 to index
        %get3A_275 = arith.constant 32 : index
        %get3A_276 = tpu.vector_load %arg9[%get3A_274, %get3A_275] {strides = array<i32>} : memref<1024x64xf32, #tpu.memory_space<vmem>>, vector<1x16xf32>,
        %get3A_277 = vector.shape_cast %get3A_276 : vector<1x16xf32> to vector<16xf32>
        %add3A_278 = arith.addf %add3A_256, %get3A_277 : vector<16xf32>
        %get3A_279 = arith.index_cast %add3A_263 : i32 to index
        %get3A_280 = arith.constant 48 : index
        %get3A_281 = tpu.vector_load %arg9[%get3A_279, %get3A_280] {strides = array<i32>} : memref<1024x64xf32, #tpu.memory_space<vmem>>, vector<1x16xf32>,
        %get3A_282 = vector.shape_cast %get3A_281 : vector<1x16xf32> to vector<16xf32>
        %add3A_283 = arith.addf %add3A_261, %get3A_282 : vector<16xf32>
        %add3A_284 = arith.constant 2 : i32
        %add3A_285 = arith.addi %add3A_240, %add3A_284 : i32
        %get3A_286 = arith.index_cast %add3A_285 : i32 to index
        %get3A_287 = arith.constant 0 : index
        %get3A_288 = tpu.vector_load %arg9[%get3A_286, %get3A_287] {strides = array<i32>} : memref<1024x64xf32, #tpu.memory_space<vmem>>, vector<1x16xf32>,
        %get3A_289 = vector.shape_cast %get3A_288 : vector<1x16xf32> to vector<16xf32>
        %add3A_290 = arith.addf %add3A_268, %get3A_289 : vector<16xf32>
        %get3A_291 = arith.index_cast %add3A_285 : i32 to index
        %get3A_292 = arith.constant 16 : index
        %get3A_293 = tpu.vector_load %arg9[%get3A_291, %get3A_292] {strides = array<i32>} : memref<1024x64xf32, #tpu.memory_space<vmem>>, vector<1x16xf32>,
        %get3A_294 = vector.shape_cast %get3A_293 : vector<1x16xf32> to vector<16xf32>
        %add3A_295 = arith.addf %add3A_273, %get3A_294 : vector<16xf32>
        %get3A_296 = arith.index_cast %add3A_285 : i32 to index
        %get3A_297 = arith.constant 32 : index
        %get3A_298 = tpu.vector_load %arg9[%get3A_296, %get3A_297] {strides = array<i32>} : memref<1024x64xf32, #tpu.memory_space<vmem>>, vector<1x16xf32>,
        %get3A_299 = vector.shape_cast %get3A_298 : vector<1x16xf32> to vector<16xf32>
        %add3A_300 = arith.addf %add3A_278, %get3A_299 : vector<16xf32>
        %get3A_301 = arith.index_cast %add3A_285 : i32 to index
        %get3A_302 = arith.constant 48 : index
        %get3A_303 = tpu.vector_load %arg9[%get3A_301, %get3A_302] {strides = array<i32>} : memref<1024x64xf32, #tpu.memory_space<vmem>>, vector<1x16xf32>,
        %get3A_304 = vector.shape_cast %get3A_303 : vector<1x16xf32> to vector<16xf32>
        %add3A_305 = arith.addf %add3A_283, %get3A_304 : vector<16xf32>
        %add3A_306 = arith.constant 3 : i32
        %add3A_307 = arith.addi %add3A_240, %add3A_306 : i32
        %get3A_308 = arith.index_cast %add3A_307 : i32 to index
        %get3A_309 = arith.constant 0 : index
        %get3A_310 = tpu.vector_load %arg9[%get3A_308, %get3A_309] {strides = array<i32>} : memref<1024x64xf32, #tpu.memory_space<vmem>>, vector<1x16xf32>,
        %get3A_311 = vector.shape_cast %get3A_310 : vector<1x16xf32> to vector<16xf32>
        %add3A_312 = arith.addf %add3A_290, %get3A_311 : vector<16xf32>
        %get3A_313 = arith.index_cast %add3A_307 : i32 to index
        %get3A_314 = arith.constant 16 : index
        %get3A_315 = tpu.vector_load %arg9[%get3A_313, %get3A_314] {strides = array<i32>} : memref<1024x64xf32, #tpu.memory_space<vmem>>, vector<1x16xf32>,
        %get3A_316 = vector.shape_cast %get3A_315 : vector<1x16xf32> to vector<16xf32>
        %add3A_317 = arith.addf %add3A_295, %get3A_316 : vector<16xf32>
        %get3A_318 = arith.index_cast %add3A_307 : i32 to index
        %get3A_319 = arith.constant 32 : index
        %get3A_320 = tpu.vector_load %arg9[%get3A_318, %get3A_319] {strides = array<i32>} : memref<1024x64xf32, #tpu.memory_space<vmem>>, vector<1x16xf32>,
        %get3A_321 = vector.shape_cast %get3A_320 : vector<1x16xf32> to vector<16xf32>
        %add3A_322 = arith.addf %add3A_300, %get3A_321 : vector<16xf32>
        %get3A_323 = arith.index_cast %add3A_307 : i32 to index
        %get3A_324 = arith.constant 48 : index
        %get3A_325 = tpu.vector_load %arg9[%get3A_323, %get3A_324] {strides = array<i32>} : memref<1024x64xf32, #tpu.memory_space<vmem>>, vector<1x16xf32>,
        %get3A_326 = vector.shape_cast %get3A_325 : vector<1x16xf32> to vector<16xf32>
        %add3A_327 = arith.addf %add3A_305, %get3A_326 : vector<16xf32>
        %add3A_328 = arith.constant 4 : i32
        %add3A_329 = arith.addi %add3A_240, %add3A_328 : i32
        %get3A_330 = arith.index_cast %add3A_329 : i32 to index
        %get3A_331 = arith.constant 0 : index
        %get3A_332 = tpu.vector_load %arg9[%get3A_330, %get3A_331] {strides = array<i32>} : memref<1024x64xf32, #tpu.memory_space<vmem>>, vector<1x16xf32>,
        %get3A_333 = vector.shape_cast %get3A_332 : vector<1x16xf32> to vector<16xf32>
        %add3A_334 = arith.addf %add3A_312, %get3A_333 : vector<16xf32>
        %get3A_335 = arith.index_cast %add3A_329 : i32 to index
        %get3A_336 = arith.constant 16 : index
        %get3A_337 = tpu.vector_load %arg9[%get3A_335, %get3A_336] {strides = array<i32>} : memref<1024x64xf32, #tpu.memory_space<vmem>>, vector<1x16xf32>,
        %get3A_338 = vector.shape_cast %get3A_337 : vector<1x16xf32> to vector<16xf32>
        %add3A_339 = arith.addf %add3A_317, %get3A_338 : vector<16xf32>
        %get3A_340 = arith.index_cast %add3A_329 : i32 to index
        %get3A_341 = arith.constant 32 : index
        %get3A_342 = tpu.vector_load %arg9[%get3A_340, %get3A_341] {strides = array<i32>} : memref<1024x64xf32, #tpu.memory_space<vmem>>, vector<1x16xf32>,
        %get3A_343 = vector.shape_cast %get3A_342 : vector<1x16xf32> to vector<16xf32>
        %add3A_344 = arith.addf %add3A_322, %get3A_343 : vector<16xf32>
        %get3A_345 = arith.index_cast %add3A_329 : i32 to index
        %get3A_346 = arith.constant 48 : index
        %get3A_347 = tpu.vector_load %arg9[%get3A_345, %get3A_346] {strides = array<i32>} : memref<1024x64xf32, #tpu.memory_space<vmem>>, vector<1x16xf32>,
        %get3A_348 = vector.shape_cast %get3A_347 : vector<1x16xf32> to vector<16xf32>
        %add3A_349 = arith.addf %add3A_327, %get3A_348 : vector<16xf32>
        %add3A_350 = arith.constant 5 : i32
        %add3A_351 = arith.addi %add3A_240, %add3A_350 : i32
        %get3A_352 = arith.index_cast %add3A_351 : i32 to index
        %get3A_353 = arith.constant 0 : index
        %get3A_354 = tpu.vector_load %arg9[%get3A_352, %get3A_353] {strides = array<i32>} : memref<1024x64xf32, #tpu.memory_space<vmem>>, vector<1x16xf32>,
        %get3A_355 = vector.shape_cast %get3A_354 : vector<1x16xf32> to vector<16xf32>
        %add3A_356 = arith.addf %add3A_334, %get3A_355 : vector<16xf32>
        %get3A_357 = arith.index_cast %add3A_351 : i32 to index
        %get3A_358 = arith.constant 16 : index
        %get3A_359 = tpu.vector_load %arg9[%get3A_357, %get3A_358] {strides = array<i32>} : memref<1024x64xf32, #tpu.memory_space<vmem>>, vector<1x16xf32>,
        %get3A_360 = vector.shape_cast %get3A_359 : vector<1x16xf32> to vector<16xf32>
        %add3A_361 = arith.addf %add3A_339, %get3A_360 : vector<16xf32>
        %get3A_362 = arith.index_cast %add3A_351 : i32 to index
        %get3A_363 = arith.constant 32 : index
        %get3A_364 = tpu.vector_load %arg9[%get3A_362, %get3A_363] {strides = array<i32>} : memref<1024x64xf32, #tpu.memory_space<vmem>>, vector<1x16xf32>,
        %get3A_365 = vector.shape_cast %get3A_364 : vector<1x16xf32> to vector<16xf32>
        %add3A_366 = arith.addf %add3A_344, %get3A_365 : vector<16xf32>
        %get3A_367 = arith.index_cast %add3A_351 : i32 to index
        %get3A_368 = arith.constant 48 : index
        %get3A_369 = tpu.vector_load %arg9[%get3A_367, %get3A_368] {strides = array<i32>} : memref<1024x64xf32, #tpu.memory_space<vmem>>, vector<1x16xf32>,
        %get3A_370 = vector.shape_cast %get3A_369 : vector<1x16xf32> to vector<16xf32>
        %add3A_371 = arith.addf %add3A_349, %get3A_370 : vector<16xf32>
        %add3A_372 = arith.constant 6 : i32
        %add3A_373 = arith.addi %add3A_240, %add3A_372 : i32
        %get3A_374 = arith.index_cast %add3A_373 : i32 to index
        %get3A_375 = arith.constant 0 : index
        %get3A_376 = tpu.vector_load %arg9[%get3A_374, %get3A_375] {strides = array<i32>} : memref<1024x64xf32, #tpu.memory_space<vmem>>, vector<1x16xf32>,
        %get3A_377 = vector.shape_cast %get3A_376 : vector<1x16xf32> to vector<16xf32>
        %add3A_378 = arith.addf %add3A_356, %get3A_377 : vector<16xf32>
        %get3A_379 = arith.index_cast %add3A_373 : i32 to index
        %get3A_380 = arith.constant 16 : index
        %get3A_381 = tpu.vector_load %arg9[%get3A_379, %get3A_380] {strides = array<i32>} : memref<1024x64xf32, #tpu.memory_space<vmem>>, vector<1x16xf32>,
        %get3A_382 = vector.shape_cast %get3A_381 : vector<1x16xf32> to vector<16xf32>
        %add3A_383 = arith.addf %add3A_361, %get3A_382 : vector<16xf32>
        %get3A_384 = arith.index_cast %add3A_373 : i32 to index
        %get3A_385 = arith.constant 32 : index
        %get3A_386 = tpu.vector_load %arg9[%get3A_384, %get3A_385] {strides = array<i32>} : memref<1024x64xf32, #tpu.memory_space<vmem>>, vector<1x16xf32>,
        %get3A_387 = vector.shape_cast %get3A_386 : vector<1x16xf32> to vector<16xf32>
        %add3A_388 = arith.addf %add3A_366, %get3A_387 : vector<16xf32>
        %get3A_389 = arith.index_cast %add3A_373 : i32 to index
        %get3A_390 = arith.constant 48 : index
        %get3A_391 = tpu.vector_load %arg9[%get3A_389, %get3A_390] {strides = array<i32>} : memref<1024x64xf32, #tpu.memory_space<vmem>>, vector<1x16xf32>,
        %get3A_392 = vector.shape_cast %get3A_391 : vector<1x16xf32> to vector<16xf32>
        %add3A_393 = arith.addf %add3A_371, %get3A_392 : vector<16xf32>
        %add3A_394 = arith.constant 7 : i32
        %add3A_395 = arith.addi %add3A_240, %add3A_394 : i32
        %get3A_396 = arith.index_cast %add3A_395 : i32 to index
        %get3A_397 = arith.constant 0 : index
        %get3A_398 = tpu.vector_load %arg9[%get3A_396, %get3A_397] {strides = array<i32>} : memref<1024x64xf32, #tpu.memory_space<vmem>>, vector<1x16xf32>,
        %get3A_399 = vector.shape_cast %get3A_398 : vector<1x16xf32> to vector<16xf32>
        %add3A_400 = arith.addf %add3A_378, %get3A_399 : vector<16xf32>
        %get3A_401 = arith.index_cast %add3A_395 : i32 to index
        %get3A_402 = arith.constant 16 : index
        %get3A_403 = tpu.vector_load %arg9[%get3A_401, %get3A_402] {strides = array<i32>} : memref<1024x64xf32, #tpu.memory_space<vmem>>, vector<1x16xf32>,
        %get3A_404 = vector.shape_cast %get3A_403 : vector<1x16xf32> to vector<16xf32>
        %add3A_405 = arith.addf %add3A_383, %get3A_404 : vector<16xf32>
        %get3A_406 = arith.index_cast %add3A_395 : i32 to index
        %get3A_407 = arith.constant 32 : index
        %get3A_408 = tpu.vector_load %arg9[%get3A_406, %get3A_407] {strides = array<i32>} : memref<1024x64xf32, #tpu.memory_space<vmem>>, vector<1x16xf32>,
        %get3A_409 = vector.shape_cast %get3A_408 : vector<1x16xf32> to vector<16xf32>
        %add3A_410 = arith.addf %add3A_388, %get3A_409 : vector<16xf32>
        %get3A_411 = arith.index_cast %add3A_395 : i32 to index
        %get3A_412 = arith.constant 48 : index
        %get3A_413 = tpu.vector_load %arg9[%get3A_411, %get3A_412] {strides = array<i32>} : memref<1024x64xf32, #tpu.memory_space<vmem>>, vector<1x16xf32>,
        %get3A_414 = vector.shape_cast %get3A_413 : vector<1x16xf32> to vector<16xf32>
        %add3A_415 = arith.addf %add3A_393, %get3A_414 : vector<16xf32>
        scf.yield %add3A_400, %add3A_405, %add3A_410, %add3A_415 : vector<16xf32>, vector<16xf32>, vector<16xf32>, vector<16xf32>
      }
      %scan3A_224 = arith.constant 64 : i32
      %add3A_225 = arith.constant 3 : i32
      %add3A_226 = arith.addi %mul3A_184, %add3A_225 : i32
      %lt3A_227 = arith.constant 49 : i32
      %lt3A_228 = arith.cmpi slt, %add3A_226, %lt3A_227 : i32
      %convert_element_type3A_229 = arith.extui %lt3A_228 : i1 to i32
      %cond3A_230 = arith.constant 0 : i32
      %cond3A_231 = arith.cmpi ne, %convert_element_type3A_229, %cond3A_230 : i32
      scf.if %cond3A_231 {
        %add3A_232 = arith.constant 3 : i32
        %add3A_233 = arith.addi %mul3A_184, %add3A_232 : i32
        %mul3A_234 = arith.constant 512 : i32
        %mul3A_235 = arith.muli %add3A_233, %mul3A_234 : i32
        %add3A_236 = arith.constant 0 : i32
        %add3A_237 = arith.addi %mul3A_235, %add3A_236 : i32
        %dma_start3A_238 = arith.constant 512 : i32
        %dma_start3A_239 = arith.constant 0 : i32
        %dma_start3A_240 = tpu.memref_slice %arg9[%dma_start3A_238, %dma_start3A_239] : memref<1024x64xf32, #tpu.memory_space<vmem>> -> memref<128x64xf32, #tpu.memory_space<vmem>>
        %dma_start3A_241 = tpu.memref_slice %arg8[%add3A_237] : memref<25088xi32, #tpu.memory_space<vmem>> -> memref<128xi32, #tpu.memory_space<vmem>>
        %dma_start3A_242 = arith.constant 0 : i32
        %dma_start3A_243 = arith.constant 0 : i32
        %dma_start3A_244 = tpu.memref_slice %arg3[%dma_start3A_242, %dma_start3A_243] : memref<1000000x64xf32, #tpu.memory_space<hbm>> -> memref<1000000x64xf32, #tpu.memory_space<hbm>>
        tpu.enqueue_indirect_dma source(%dma_start3A_244 : memref<1000000x64xf32, #tpu.memory_space<hbm>>) target(%dma_start3A_240 : memref<128x64xf32, #tpu.memory_space<vmem>>) offsets(%dma_start3A_241 : memref<128xi32, #tpu.memory_space<vmem>>) semaphore(%arg14 : memref<!tpu.dma_semaphore, #tpu.memory_space<semaphore_mem>>)
        %mul3A_245 = arith.constant 512 : i32
        %mul3A_246 = arith.muli %add3A_233, %mul3A_245 : i32
        %add3A_247 = arith.constant 128 : i32
        %add3A_248 = arith.addi %mul3A_246, %add3A_247 : i32
        %dma_start3A_249 = arith.constant 640 : i32
        %dma_start3A_250 = arith.constant 0 : i32
        %dma_start3A_251 = tpu.memref_slice %arg9[%dma_start3A_249, %dma_start3A_250] : memref<1024x64xf32, #tpu.memory_space<vmem>> -> memref<128x64xf32, #tpu.memory_space<vmem>>
        %dma_start3A_252 = tpu.memref_slice %arg8[%add3A_248] : memref<25088xi32, #tpu.memory_space<vmem>> -> memref<128xi32, #tpu.memory_space<vmem>>
        %dma_start3A_253 = arith.constant 0 : i32
        %dma_start3A_254 = arith.constant 0 : i32
        %dma_start3A_255 = tpu.memref_slice %arg3[%dma_start3A_253, %dma_start3A_254] : memref<1000000x64xf32, #tpu.memory_space<hbm>> -> memref<1000000x64xf32, #tpu.memory_space<hbm>>
        tpu.enqueue_indirect_dma source(%dma_start3A_255 : memref<1000000x64xf32, #tpu.memory_space<hbm>>) target(%dma_start3A_251 : memref<128x64xf32, #tpu.memory_space<vmem>>) offsets(%dma_start3A_252 : memref<128xi32, #tpu.memory_space<vmem>>) semaphore(%arg14 : memref<!tpu.dma_semaphore, #tpu.memory_space<semaphore_mem>>)
        %mul3A_256 = arith.constant 512 : i32
        %mul3A_257 = arith.muli %add3A_233, %mul3A_256 : i32
        %add3A_258 = arith.constant 256 : i32
        %add3A_259 = arith.addi %mul3A_257, %add3A_258 : i32
        %dma_start3A_260 = arith.constant 768 : i32
        %dma_start3A_261 = arith.constant 0 : i32
        %dma_start3A_262 = tpu.memref_slice %arg9[%dma_start3A_260, %dma_start3A_261] : memref<1024x64xf32, #tpu.memory_space<vmem>> -> memref<128x64xf32, #tpu.memory_space<vmem>>
        %dma_start3A_263 = tpu.memref_slice %arg8[%add3A_259] : memref<25088xi32, #tpu.memory_space<vmem>> -> memref<128xi32, #tpu.memory_space<vmem>>
        %dma_start3A_264 = arith.constant 0 : i32
        %dma_start3A_265 = arith.constant 0 : i32
        %dma_start3A_266 = tpu.memref_slice %arg3[%dma_start3A_264, %dma_start3A_265] : memref<1000000x64xf32, #tpu.memory_space<hbm>> -> memref<1000000x64xf32, #tpu.memory_space<hbm>>
        tpu.enqueue_indirect_dma source(%dma_start3A_266 : memref<1000000x64xf32, #tpu.memory_space<hbm>>) target(%dma_start3A_262 : memref<128x64xf32, #tpu.memory_space<vmem>>) offsets(%dma_start3A_263 : memref<128xi32, #tpu.memory_space<vmem>>) semaphore(%arg14 : memref<!tpu.dma_semaphore, #tpu.memory_space<semaphore_mem>>)
        %mul3A_267 = arith.constant 512 : i32
        %mul3A_268 = arith.muli %add3A_233, %mul3A_267 : i32
        %add3A_269 = arith.constant 384 : i32
        %add3A_270 = arith.addi %mul3A_268, %add3A_269 : i32
        %dma_start3A_271 = arith.constant 896 : i32
        %dma_start3A_272 = arith.constant 0 : i32
        %dma_start3A_273 = tpu.memref_slice %arg9[%dma_start3A_271, %dma_start3A_272] : memref<1024x64xf32, #tpu.memory_space<vmem>> -> memref<128x64xf32, #tpu.memory_space<vmem>>
        %dma_start3A_274 = tpu.memref_slice %arg8[%add3A_270] : memref<25088xi32, #tpu.memory_space<vmem>> -> memref<128xi32, #tpu.memory_space<vmem>>
        %dma_start3A_275 = arith.constant 0 : i32
        %dma_start3A_276 = arith.constant 0 : i32
        %dma_start3A_277 = tpu.memref_slice %arg3[%dma_start3A_275, %dma_start3A_276] : memref<1000000x64xf32, #tpu.memory_space<hbm>> -> memref<1000000x64xf32, #tpu.memory_space<hbm>>
        tpu.enqueue_indirect_dma source(%dma_start3A_277 : memref<1000000x64xf32, #tpu.memory_space<hbm>>) target(%dma_start3A_273 : memref<128x64xf32, #tpu.memory_space<vmem>>) offsets(%dma_start3A_274 : memref<128xi32, #tpu.memory_space<vmem>>) semaphore(%arg14 : memref<!tpu.dma_semaphore, #tpu.memory_space<semaphore_mem>>)
      } else {
      }
      scf.yield %scan3A_223#0, %scan3A_223#1, %scan3A_223#2, %scan3A_223#3 : vector<16xf32>, vector<16xf32>, vector<16xf32>, vector<16xf32>
    }
    %scan3A_142 = arith.constant 24 : i32
    %dma_wait3A_143 = arith.constant 0 : i32
    %dma_wait3A_144 = arith.constant 0 : i32
    %dma_wait3A_145 = tpu.memref_slice %arg9[%dma_wait3A_143, %dma_wait3A_144] : memref<1024x64xf32, #tpu.memory_space<vmem>> -> memref<512x64xf32, #tpu.memory_space<vmem>>
    %dma_wait3A_146 = arith.constant 0 : i32
    %dma_wait3A_147 = arith.constant 0 : i32
    %dma_wait3A_148 = tpu.memref_slice %arg3[%dma_wait3A_146, %dma_wait3A_147] : memref<1000000x64xf32, #tpu.memory_space<hbm>> -> memref<512x64xf32, #tpu.memory_space<hbm>>
    %dma_wait3A_149 = arith.constant 0 : i32
    %dma_wait3A_150 = arith.constant 0 : i32
    %dma_wait3A_151 = tpu.memref_slice %arg9[%dma_wait3A_149, %dma_wait3A_150] : memref<1024x64xf32, #tpu.memory_space<vmem>> -> memref<512x64xf32, #tpu.memory_space<vmem>>
    %dma_wait3A_152 = arith.constant 0 : i32
    %dma_wait3A_153 = arith.constant 0 : i32
    %dma_wait3A_154 = tpu.memref_slice %arg3[%dma_wait3A_152, %dma_wait3A_153] : memref<1000000x64xf32, #tpu.memory_space<hbm>> -> memref<512x64xf32, #tpu.memory_space<hbm>>
    tpu.wait_dma2 semaphore(%arg13 : memref<!tpu.dma_semaphore, #tpu.memory_space<semaphore_mem>>) src(%dma_wait3A_154 : memref<512x64xf32, #tpu.memory_space<hbm>>) dst(%dma_wait3A_151 : memref<512x64xf32, #tpu.memory_space<vmem>>)
    %scan3A_155 = arith.constant 0 : i32
    %scan3A_156 = arith.constant 64 : i32
    %scan3A_157 = arith.addi %scan3A_155, %scan3A_156 : i32
    %scan3A_158 = arith.constant 1 : i32
    %scan3A_159:4 = scf.for %scan3A_178 = %scan3A_155 to %scan3A_157 step %scan3A_158 iter_args(%scan3A_179 = %scan3A_141#0, %scan3A_180 = %scan3A_141#1, %scan3A_181 = %scan3A_141#2, %scan3A_182 = %scan3A_141#3) -> (vector<16xf32>, vector<16xf32>, vector<16xf32>, vector<16xf32>)  : i32 {
      %mul3A_183 = arith.constant 8 : i32
      %mul3A_184 = arith.muli %scan3A_178, %mul3A_183 : i32
      %add3A_185 = arith.constant 0 : i32
      %add3A_186 = arith.addi %add3A_185, %mul3A_184 : i32
      %add3A_187 = arith.constant 0 : i32
      %add3A_188 = arith.addi %add3A_186, %add3A_187 : i32
      %get3A = arith.index_cast %add3A_188 : i32 to index
      %get3A_189 = arith.constant 0 : index
      %get3A_190 = tpu.vector_load %arg9[%get3A, %get3A_189] {strides = array<i32>} : memref<1024x64xf32, #tpu.memory_space<vmem>>, vector<1x16xf32>,
      %get3A_191 = vector.shape_cast %get3A_190 : vector<1x16xf32> to vector<16xf32>
      %add3A_192 = arith.addf %scan3A_179, %get3A_191 : vector<16xf32>
      %get3A_193 = arith.index_cast %add3A_188 : i32 to index
      %get3A_194 = arith.constant 16 : index
      %get3A_195 = tpu.vector_load %arg9[%get3A_193, %get3A_194] {strides = array<i32>} : memref<1024x64xf32, #tpu.memory_space<vmem>>, vector<1x16xf32>,
      %get3A_196 = vector.shape_cast %get3A_195 : vector<1x16xf32> to vector<16xf32>
      %add3A_197 = arith.addf %scan3A_180, %get3A_196 : vector<16xf32>
      %get3A_198 = arith.index_cast %add3A_188 : i32 to index
      %get3A_199 = arith.constant 32 : index
      %get3A_200 = tpu.vector_load %arg9[%get3A_198, %get3A_199] {strides = array<i32>} : memref<1024x64xf32, #tpu.memory_space<vmem>>, vector<1x16xf32>,
      %get3A_201 = vector.shape_cast %get3A_200 : vector<1x16xf32> to vector<16xf32>
      %add3A_202 = arith.addf %scan3A_181, %get3A_201 : vector<16xf32>
      %get3A_203 = arith.index_cast %add3A_188 : i32 to index
      %get3A_204 = arith.constant 48 : index
      %get3A_205 = tpu.vector_load %arg9[%get3A_203, %get3A_204] {strides = array<i32>} : memref<1024x64xf32, #tpu.memory_space<vmem>>, vector<1x16xf32>,
      %get3A_206 = vector.shape_cast %get3A_205 : vector<1x16xf32> to vector<16xf32>
      %add3A_207 = arith.addf %scan3A_182, %get3A_206 : vector<16xf32>
      %add3A_208 = arith.constant 1 : i32
      %add3A_209 = arith.addi %add3A_186, %add3A_208 : i32
      %get3A_210 = arith.index_cast %add3A_209 : i32 to index
      %get3A_211 = arith.constant 0 : index
      %get3A_212 = tpu.vector_load %arg9[%get3A_210, %get3A_211] {strides = array<i32>} : memref<1024x64xf32, #tpu.memory_space<vmem>>, vector<1x16xf32>,
      %get3A_213 = vector.shape_cast %get3A_212 : vector<1x16xf32> to vector<16xf32>
      %add3A_214 = arith.addf %add3A_192, %get3A_213 : vector<16xf32>
      %get3A_215 = arith.index_cast %add3A_209 : i32 to index
      %get3A_216 = arith.constant 16 : index
      %get3A_217 = tpu.vector_load %arg9[%get3A_215, %get3A_216] {strides = array<i32>} : memref<1024x64xf32, #tpu.memory_space<vmem>>, vector<1x16xf32>,
      %get3A_218 = vector.shape_cast %get3A_217 : vector<1x16xf32> to vector<16xf32>
      %add3A_219 = arith.addf %add3A_197, %get3A_218 : vector<16xf32>
      %get3A_220 = arith.index_cast %add3A_209 : i32 to index
      %get3A_221 = arith.constant 32 : index
      %get3A_222 = tpu.vector_load %arg9[%get3A_220, %get3A_221] {strides = array<i32>} : memref<1024x64xf32, #tpu.memory_space<vmem>>, vector<1x16xf32>,
      %get3A_223 = vector.shape_cast %get3A_222 : vector<1x16xf32> to vector<16xf32>
      %add3A_224 = arith.addf %add3A_202, %get3A_223 : vector<16xf32>
      %get3A_225 = arith.index_cast %add3A_209 : i32 to index
      %get3A_226 = arith.constant 48 : index
      %get3A_227 = tpu.vector_load %arg9[%get3A_225, %get3A_226] {strides = array<i32>} : memref<1024x64xf32, #tpu.memory_space<vmem>>, vector<1x16xf32>,
      %get3A_228 = vector.shape_cast %get3A_227 : vector<1x16xf32> to vector<16xf32>
      %add3A_229 = arith.addf %add3A_207, %get3A_228 : vector<16xf32>
      %add3A_230 = arith.constant 2 : i32
      %add3A_231 = arith.addi %add3A_186, %add3A_230 : i32
      %get3A_232 = arith.index_cast %add3A_231 : i32 to index
      %get3A_233 = arith.constant 0 : index
      %get3A_234 = tpu.vector_load %arg9[%get3A_232, %get3A_233] {strides = array<i32>} : memref<1024x64xf32, #tpu.memory_space<vmem>>, vector<1x16xf32>,
      %get3A_235 = vector.shape_cast %get3A_234 : vector<1x16xf32> to vector<16xf32>
      %add3A_236 = arith.addf %add3A_214, %get3A_235 : vector<16xf32>
      %get3A_237 = arith.index_cast %add3A_231 : i32 to index
      %get3A_238 = arith.constant 16 : index
      %get3A_239 = tpu.vector_load %arg9[%get3A_237, %get3A_238] {strides = array<i32>} : memref<1024x64xf32, #tpu.memory_space<vmem>>, vector<1x16xf32>,
      %get3A_240 = vector.shape_cast %get3A_239 : vector<1x16xf32> to vector<16xf32>
      %add3A_241 = arith.addf %add3A_219, %get3A_240 : vector<16xf32>
      %get3A_242 = arith.index_cast %add3A_231 : i32 to index
      %get3A_243 = arith.constant 32 : index
      %get3A_244 = tpu.vector_load %arg9[%get3A_242, %get3A_243] {strides = array<i32>} : memref<1024x64xf32, #tpu.memory_space<vmem>>, vector<1x16xf32>,
      %get3A_245 = vector.shape_cast %get3A_244 : vector<1x16xf32> to vector<16xf32>
      %add3A_246 = arith.addf %add3A_224, %get3A_245 : vector<16xf32>
      %get3A_247 = arith.index_cast %add3A_231 : i32 to index
      %get3A_248 = arith.constant 48 : index
      %get3A_249 = tpu.vector_load %arg9[%get3A_247, %get3A_248] {strides = array<i32>} : memref<1024x64xf32, #tpu.memory_space<vmem>>, vector<1x16xf32>,
      %get3A_250 = vector.shape_cast %get3A_249 : vector<1x16xf32> to vector<16xf32>
      %add3A_251 = arith.addf %add3A_229, %get3A_250 : vector<16xf32>
      %add3A_252 = arith.constant 3 : i32
      %add3A_253 = arith.addi %add3A_186, %add3A_252 : i32
      %get3A_254 = arith.index_cast %add3A_253 : i32 to index
      %get3A_255 = arith.constant 0 : index
      %get3A_256 = tpu.vector_load %arg9[%get3A_254, %get3A_255] {strides = array<i32>} : memref<1024x64xf32, #tpu.memory_space<vmem>>, vector<1x16xf32>,
      %get3A_257 = vector.shape_cast %get3A_256 : vector<1x16xf32> to vector<16xf32>
      %add3A_258 = arith.addf %add3A_236, %get3A_257 : vector<16xf32>
      %get3A_259 = arith.index_cast %add3A_253 : i32 to index
      %get3A_260 = arith.constant 16 : index
      %get3A_261 = tpu.vector_load %arg9[%get3A_259, %get3A_260] {strides = array<i32>} : memref<1024x64xf32, #tpu.memory_space<vmem>>, vector<1x16xf32>,
      %get3A_262 = vector.shape_cast %get3A_261 : vector<1x16xf32> to vector<16xf32>
      %add3A_263 = arith.addf %add3A_241, %get3A_262 : vector<16xf32>
      %get3A_264 = arith.index_cast %add3A_253 : i32 to index
      %get3A_265 = arith.constant 32 : index
      %get3A_266 = tpu.vector_load %arg9[%get3A_264, %get3A_265] {strides = array<i32>} : memref<1024x64xf32, #tpu.memory_space<vmem>>, vector<1x16xf32>,
      %get3A_267 = vector.shape_cast %get3A_266 : vector<1x16xf32> to vector<16xf32>
      %add3A_268 = arith.addf %add3A_246, %get3A_267 : vector<16xf32>
      %get3A_269 = arith.index_cast %add3A_253 : i32 to index
      %get3A_270 = arith.constant 48 : index
      %get3A_271 = tpu.vector_load %arg9[%get3A_269, %get3A_270] {strides = array<i32>} : memref<1024x64xf32, #tpu.memory_space<vmem>>, vector<1x16xf32>,
      %get3A_272 = vector.shape_cast %get3A_271 : vector<1x16xf32> to vector<16xf32>
      %add3A_273 = arith.addf %add3A_251, %get3A_272 : vector<16xf32>
      %add3A_274 = arith.constant 4 : i32
      %add3A_275 = arith.addi %add3A_186, %add3A_274 : i32
      %get3A_276 = arith.index_cast %add3A_275 : i32 to index
      %get3A_277 = arith.constant 0 : index
      %get3A_278 = tpu.vector_load %arg9[%get3A_276, %get3A_277] {strides = array<i32>} : memref<1024x64xf32, #tpu.memory_space<vmem>>, vector<1x16xf32>,
      %get3A_279 = vector.shape_cast %get3A_278 : vector<1x16xf32> to vector<16xf32>
      %add3A_280 = arith.addf %add3A_258, %get3A_279 : vector<16xf32>
      %get3A_281 = arith.index_cast %add3A_275 : i32 to index
      %get3A_282 = arith.constant 16 : index
      %get3A_283 = tpu.vector_load %arg9[%get3A_281, %get3A_282] {strides = array<i32>} : memref<1024x64xf32, #tpu.memory_space<vmem>>, vector<1x16xf32>,
      %get3A_284 = vector.shape_cast %get3A_283 : vector<1x16xf32> to vector<16xf32>
      %add3A_285 = arith.addf %add3A_263, %get3A_284 : vector<16xf32>
      %get3A_286 = arith.index_cast %add3A_275 : i32 to index
      %get3A_287 = arith.constant 32 : index
      %get3A_288 = tpu.vector_load %arg9[%get3A_286, %get3A_287] {strides = array<i32>} : memref<1024x64xf32, #tpu.memory_space<vmem>>, vector<1x16xf32>,
      %get3A_289 = vector.shape_cast %get3A_288 : vector<1x16xf32> to vector<16xf32>
      %add3A_290 = arith.addf %add3A_268, %get3A_289 : vector<16xf32>
      %get3A_291 = arith.index_cast %add3A_275 : i32 to index
      %get3A_292 = arith.constant 48 : index
      %get3A_293 = tpu.vector_load %arg9[%get3A_291, %get3A_292] {strides = array<i32>} : memref<1024x64xf32, #tpu.memory_space<vmem>>, vector<1x16xf32>,
      %get3A_294 = vector.shape_cast %get3A_293 : vector<1x16xf32> to vector<16xf32>
      %add3A_295 = arith.addf %add3A_273, %get3A_294 : vector<16xf32>
      %add3A_296 = arith.constant 5 : i32
      %add3A_297 = arith.addi %add3A_186, %add3A_296 : i32
      %get3A_298 = arith.index_cast %add3A_297 : i32 to index
      %get3A_299 = arith.constant 0 : index
      %get3A_300 = tpu.vector_load %arg9[%get3A_298, %get3A_299] {strides = array<i32>} : memref<1024x64xf32, #tpu.memory_space<vmem>>, vector<1x16xf32>,
      %get3A_301 = vector.shape_cast %get3A_300 : vector<1x16xf32> to vector<16xf32>
      %add3A_302 = arith.addf %add3A_280, %get3A_301 : vector<16xf32>
      %get3A_303 = arith.index_cast %add3A_297 : i32 to index
      %get3A_304 = arith.constant 16 : index
      %get3A_305 = tpu.vector_load %arg9[%get3A_303, %get3A_304] {strides = array<i32>} : memref<1024x64xf32, #tpu.memory_space<vmem>>, vector<1x16xf32>,
      %get3A_306 = vector.shape_cast %get3A_305 : vector<1x16xf32> to vector<16xf32>
      %add3A_307 = arith.addf %add3A_285, %get3A_306 : vector<16xf32>
      %get3A_308 = arith.index_cast %add3A_297 : i32 to index
      %get3A_309 = arith.constant 32 : index
      %get3A_310 = tpu.vector_load %arg9[%get3A_308, %get3A_309] {strides = array<i32>} : memref<1024x64xf32, #tpu.memory_space<vmem>>, vector<1x16xf32>,
      %get3A_311 = vector.shape_cast %get3A_310 : vector<1x16xf32> to vector<16xf32>
      %add3A_312 = arith.addf %add3A_290, %get3A_311 : vector<16xf32>
      %get3A_313 = arith.index_cast %add3A_297 : i32 to index
      %get3A_314 = arith.constant 48 : index
      %get3A_315 = tpu.vector_load %arg9[%get3A_313, %get3A_314] {strides = array<i32>} : memref<1024x64xf32, #tpu.memory_space<vmem>>, vector<1x16xf32>,
      %get3A_316 = vector.shape_cast %get3A_315 : vector<1x16xf32> to vector<16xf32>
      %add3A_317 = arith.addf %add3A_295, %get3A_316 : vector<16xf32>
      %add3A_318 = arith.constant 6 : i32
      %add3A_319 = arith.addi %add3A_186, %add3A_318 : i32
      %get3A_320 = arith.index_cast %add3A_319 : i32 to index
      %get3A_321 = arith.constant 0 : index
      %get3A_322 = tpu.vector_load %arg9[%get3A_320, %get3A_321] {strides = array<i32>} : memref<1024x64xf32, #tpu.memory_space<vmem>>, vector<1x16xf32>,
      %get3A_323 = vector.shape_cast %get3A_322 : vector<1x16xf32> to vector<16xf32>
      %add3A_324 = arith.addf %add3A_302, %get3A_323 : vector<16xf32>
      %get3A_325 = arith.index_cast %add3A_319 : i32 to index
      %get3A_326 = arith.constant 16 : index
      %get3A_327 = tpu.vector_load %arg9[%get3A_325, %get3A_326] {strides = array<i32>} : memref<1024x64xf32, #tpu.memory_space<vmem>>, vector<1x16xf32>,
      %get3A_328 = vector.shape_cast %get3A_327 : vector<1x16xf32> to vector<16xf32>
      %add3A_329 = arith.addf %add3A_307, %get3A_328 : vector<16xf32>
      %get3A_330 = arith.index_cast %add3A_319 : i32 to index
      %get3A_331 = arith.constant 32 : index
      %get3A_332 = tpu.vector_load %arg9[%get3A_330, %get3A_331] {strides = array<i32>} : memref<1024x64xf32, #tpu.memory_space<vmem>>, vector<1x16xf32>,
      %get3A_333 = vector.shape_cast %get3A_332 : vector<1x16xf32> to vector<16xf32>
      %add3A_334 = arith.addf %add3A_312, %get3A_333 : vector<16xf32>
      %get3A_335 = arith.index_cast %add3A_319 : i32 to index
      %get3A_336 = arith.constant 48 : index
      %get3A_337 = tpu.vector_load %arg9[%get3A_335, %get3A_336] {strides = array<i32>} : memref<1024x64xf32, #tpu.memory_space<vmem>>, vector<1x16xf32>,
      %get3A_338 = vector.shape_cast %get3A_337 : vector<1x16xf32> to vector<16xf32>
      %add3A_339 = arith.addf %add3A_317, %get3A_338 : vector<16xf32>
      %add3A_340 = arith.constant 7 : i32
      %add3A_341 = arith.addi %add3A_186, %add3A_340 : i32
      %get3A_342 = arith.index_cast %add3A_341 : i32 to index
      %get3A_343 = arith.constant 0 : index
      %get3A_344 = tpu.vector_load %arg9[%get3A_342, %get3A_343] {strides = array<i32>} : memref<1024x64xf32, #tpu.memory_space<vmem>>, vector<1x16xf32>,
      %get3A_345 = vector.shape_cast %get3A_344 : vector<1x16xf32> to vector<16xf32>
      %add3A_346 = arith.addf %add3A_324, %get3A_345 : vector<16xf32>
      %get3A_347 = arith.index_cast %add3A_341 : i32 to index
      %get3A_348 = arith.constant 16 : index
      %get3A_349 = tpu.vector_load %arg9[%get3A_347, %get3A_348] {strides = array<i32>} : memref<1024x64xf32, #tpu.memory_space<vmem>>, vector<1x16xf32>,
      %get3A_350 = vector.shape_cast %get3A_349 : vector<1x16xf32> to vector<16xf32>
      %add3A_351 = arith.addf %add3A_329, %get3A_350 : vector<16xf32>
      %get3A_352 = arith.index_cast %add3A_341 : i32 to index
      %get3A_353 = arith.constant 32 : index
      %get3A_354 = tpu.vector_load %arg9[%get3A_352, %get3A_353] {strides = array<i32>} : memref<1024x64xf32, #tpu.memory_space<vmem>>, vector<1x16xf32>,
      %get3A_355 = vector.shape_cast %get3A_354 : vector<1x16xf32> to vector<16xf32>
      %add3A_356 = arith.addf %add3A_334, %get3A_355 : vector<16xf32>
      %get3A_357 = arith.index_cast %add3A_341 : i32 to index
      %get3A_358 = arith.constant 48 : index
      %get3A_359 = tpu.vector_load %arg9[%get3A_357, %get3A_358] {strides = array<i32>} : memref<1024x64xf32, #tpu.memory_space<vmem>>, vector<1x16xf32>,
      %get3A_360 = vector.shape_cast %get3A_359 : vector<1x16xf32> to vector<16xf32>
      %add3A_361 = arith.addf %add3A_339, %get3A_360 : vector<16xf32>
      scf.yield %add3A_346, %add3A_351, %add3A_356, %add3A_361 : vector<16xf32>, vector<16xf32>, vector<16xf32>, vector<16xf32>
    }
    %scan3A_160 = arith.constant 64 : i32
    %swap3A = arith.constant 0 : index
    %swap3A_161 = tpu.vector_load %arg10[%swap3A] {strides = array<i32>} : memref<64xf32, #tpu.memory_space<vmem>>, vector<16xf32>,
    %swap3A_162 = vector.shape_cast %swap3A_161 : vector<16xf32> to vector<16xf32>
    %swap3A_163 = vector.shape_cast %scan3A_159#0 : vector<16xf32> to vector<16xf32>
    tpu.vector_store %arg10[%swap3A], %swap3A_163 {strides = array<i32>} : memref<64xf32, #tpu.memory_space<vmem>>, vector<16xf32>,
    %swap3A_164 = arith.constant 16 : index
    %swap3A_165 = tpu.vector_load %arg10[%swap3A_164] {strides = array<i32>} : memref<64xf32, #tpu.memory_space<vmem>>, vector<16xf32>,
    %swap3A_166 = vector.shape_cast %swap3A_165 : vector<16xf32> to vector<16xf32>
    %swap3A_167 = vector.shape_cast %scan3A_159#1 : vector<16xf32> to vector<16xf32>
    tpu.vector_store %arg10[%swap3A_164], %swap3A_167 {strides = array<i32>} : memref<64xf32, #tpu.memory_space<vmem>>, vector<16xf32>,
    %swap3A_168 = arith.constant 32 : index
    %swap3A_169 = tpu.vector_load %arg10[%swap3A_168] {strides = array<i32>} : memref<64xf32, #tpu.memory_space<vmem>>, vector<16xf32>,
    %swap3A_170 = vector.shape_cast %swap3A_169 : vector<16xf32> to vector<16xf32>
    %swap3A_171 = vector.shape_cast %scan3A_159#2 : vector<16xf32> to vector<16xf32>
    tpu.vector_store %arg10[%swap3A_168], %swap3A_171 {strides = array<i32>} : memref<64xf32, #tpu.memory_space<vmem>>, vector<16xf32>,
    %swap3A_172 = arith.constant 48 : index
    %swap3A_173 = tpu.vector_load %arg10[%swap3A_172] {strides = array<i32>} : memref<64xf32, #tpu.memory_space<vmem>>, vector<16xf32>,
    %swap3A_174 = vector.shape_cast %swap3A_173 : vector<16xf32> to vector<16xf32>
    %swap3A_175 = vector.shape_cast %scan3A_159#3 : vector<16xf32> to vector<16xf32>
    tpu.vector_store %arg10[%swap3A_172], %swap3A_175 {strides = array<i32>} : memref<64xf32, #tpu.memory_space<vmem>>, vector<16xf32>,
    %mul3A_176 = arith.constant 64 : i32
    %mul3A_177 = arith.muli %add3A, %mul3A_176 : i32
    "tpu.region"() ({
      %run_scoped3A = tpu.sem_alloc : memref<!tpu.dma_semaphore, #tpu.memory_space<semaphore_mem>>
      %dma_start3A_178 = tpu.memref_slice %arg5[%mul3A_177] : memref<2048xf32, #tpu.memory_space<hbm>> -> memref<64xf32, #tpu.memory_space<hbm>>
      %dma_start3A_179 = tpu.memref_slice %arg5[%mul3A_177] : memref<2048xf32, #tpu.memory_space<hbm>> -> memref<64xf32, #tpu.memory_space<hbm>>
      tpu.enqueue_dma source(%arg10 : memref<64xf32, #tpu.memory_space<vmem>>) target(%dma_start3A_179 : memref<64xf32, #tpu.memory_space<hbm>>) target_semaphore(%run_scoped3A : memref<!tpu.dma_semaphore, #tpu.memory_space<semaphore_mem>>)
      %dma_wait3A_180 = tpu.memref_slice %arg5[%mul3A_177] : memref<2048xf32, #tpu.memory_space<hbm>> -> memref<64xf32, #tpu.memory_space<hbm>>
      %dma_wait3A_181 = tpu.memref_slice %arg5[%mul3A_177] : memref<2048xf32, #tpu.memory_space<hbm>> -> memref<64xf32, #tpu.memory_space<hbm>>
      tpu.wait_dma2 semaphore(%run_scoped3A : memref<!tpu.dma_semaphore, #tpu.memory_space<semaphore_mem>>) src(%arg10 : memref<64xf32, #tpu.memory_space<vmem>>) dst(%dma_wait3A_181 : memref<64xf32, #tpu.memory_space<hbm>>)
      tpu.yield
    }) : () -> ()
    return
  }
}

module attributes {stable_mosaic.version = 14 : i64} {
  func.func @body(%arg0: i32, %arg1: memref<2048x64xf32, #tpu.memory_space<vmem>>, %arg2: memref<32x64xf32, #tpu.memory_space<vmem>>, %arg3: memref<64x64xf32, #tpu.memory_space<vmem>>, %arg4: memref<1x64xf32, #tpu.memory_space<vmem>>, %arg5: memref<64x64xf32, #tpu.memory_space<vmem>>, %arg6: memref<1x64xf32, #tpu.memory_space<vmem>>, %arg7: memref<64x16xf32, #tpu.memory_space<vmem>>, %arg8: memref<1x16xf32, #tpu.memory_space<vmem>>, %arg9: memref<2048x16xf32, #tpu.memory_space<vmem>>) attributes {dimension_semantics = [#tpu.dimension_semantics<arbitrary>], iteration_bounds = array<i64: 8>, scalar_prefetch = 0 : i64, scratch_operands = 0 : i64, tpu.core_type = #tpu.core_type<tc>, window_params = [{transform_indices = @transform_0, window_bounds = array<i64: 2048, 64>}, {pipeline_mode = #tpu.pipeline_mode<synchronous>, transform_indices = @transform_1, window_bounds = array<i64: 32, 64>}, {pipeline_mode = #tpu.pipeline_mode<synchronous>, transform_indices = @transform_2, window_bounds = array<i64: 64, 64>}, {pipeline_mode = #tpu.pipeline_mode<synchronous>, transform_indices = @transform_3, window_bounds = array<i64: 1, 64>}, {pipeline_mode = #tpu.pipeline_mode<synchronous>, transform_indices = @transform_4, window_bounds = array<i64: 64, 64>}, {pipeline_mode = #tpu.pipeline_mode<synchronous>, transform_indices = @transform_5, window_bounds = array<i64: 1, 64>}, {pipeline_mode = #tpu.pipeline_mode<synchronous>, transform_indices = @transform_6, window_bounds = array<i64: 64, 16>}, {pipeline_mode = #tpu.pipeline_mode<synchronous>, transform_indices = @transform_7, window_bounds = array<i64: 1, 16>}, {transform_indices = @transform_8, window_bounds = array<i64: 2048, 16>}]} {
    %get3A = arith.constant 0 : index
    %get3A_0 = arith.constant 0 : index
    %get3A_1 = vector.load %arg1[%get3A, %get3A_0] : memref<2048x64xf32, #tpu.memory_space<vmem>>, vector<2048x64xf32>
    %get3A_2 = arith.constant 0 : index
    %get3A_3 = arith.constant 0 : index
    %get3A_4 = vector.load %arg2[%get3A_2, %get3A_3] : memref<32x64xf32, #tpu.memory_space<vmem>>, vector<32x64xf32>
    %reduce_sum3A = arith.constant dense<0.000000e+00> : vector<64xf32>
    %reduce_sum3A_5 = vector.multi_reduction <add>, %get3A_4, %reduce_sum3A [0] : vector<32x64xf32> to vector<64xf32>
    %slice3A = vector.extract_strided_slice %get3A_1 {offsets = [2047, 0], sizes = [1, 64], strides = [1, 1]} : vector<2048x64xf32> to vector<1x64xf32>
    %squeeze3A = vector.shape_cast %slice3A : vector<1x64xf32> to vector<64xf32>
    %add3A = arith.addf %reduce_sum3A_5, %squeeze3A : vector<64xf32>
    %div3A = arith.constant 8.028170e+05 : f32
    %div3A_6 = vector.broadcast %div3A : f32 to vector<64xf32>
    %div3A_7 = arith.divf %add3A, %div3A_6 : vector<64xf32>
    %iota3A = tpu.iota {dimensions = array<i32: 0>} : vector<2048x1xi32>
    %eq3A = arith.constant 7 : i32
    %eq3A_8 = arith.cmpi eq, %arg0, %eq3A : i32
    %eq3A_9 = arith.constant 2047 : i32
    %eq3A_10 = vector.broadcast %eq3A_9 : i32 to vector<2048x1xi32>
    %eq3A_11 = arith.cmpi eq, %iota3A, %eq3A_10 : vector<2048x1xi32>
    %and3A = vector.broadcast %eq3A_8 : i1 to vector<2048x1xi1>
    %and3A_12 = arith.andi %and3A, %eq3A_11 : vector<2048x1xi1>
    %broadcast_in_dim3A = vector.shape_cast %div3A_7 : vector<64xf32> to vector<1x64xf32>
    %broadcast_in_dim3A_13 = vector.shape_cast %and3A_12 : vector<2048x1xi1> to vector<2048x1xi1>
    %broadcast_in_dim3A_14 = vector.broadcast %broadcast_in_dim3A_13 : vector<2048x1xi1> to vector<2048x64xi1>
    %broadcast_in_dim3A_15 = vector.shape_cast %broadcast_in_dim3A : vector<1x64xf32> to vector<1x64xf32>
    %broadcast_in_dim3A_16 = vector.broadcast %broadcast_in_dim3A_15 : vector<1x64xf32> to vector<2048x64xf32>
    %select_n3A = arith.select %broadcast_in_dim3A_14, %broadcast_in_dim3A_16, %get3A_1 : vector<2048x64xi1>, vector<2048x64xf32>
    %get3A_17 = arith.constant 0 : index
    %get3A_18 = arith.constant 0 : index
    %get3A_19 = vector.load %arg3[%get3A_17, %get3A_18] : memref<64x64xf32, #tpu.memory_space<vmem>>, vector<64x64xf32>
    %dot_general3A = arith.constant dense<0.000000e+00> : vector<2048x64xf32>
    %dot_general3A_20 = tpu.matmul %select_n3A, %get3A_19, %dot_general3A {dimension_numbers = #tpu.dot_dimension_numbers<[1], [0], [0], [1], [0, 0, 1, 1], [], []>, transpose_lhs_hint = false} : vector<2048x64xf32>, vector<64x64xf32>, vector<2048x64xf32> -> vector<2048x64xf32>
    %get3A_21 = arith.constant 0 : index
    %get3A_22 = arith.constant 0 : index
    %get3A_23 = vector.load %arg4[%get3A_21, %get3A_22] : memref<1x64xf32, #tpu.memory_space<vmem>>, vector<1x64xf32>
    %add3A_24 = vector.broadcast %get3A_23 : vector<1x64xf32> to vector<2048x64xf32>
    %add3A_25 = arith.addf %dot_general3A_20, %add3A_24 : vector<2048x64xf32>
    %max3A = arith.constant 0.000000e+00 : f32
    %max3A_26 = vector.broadcast %max3A : f32 to vector<2048x64xf32>
    %max3A_27 = arith.maximumf %add3A_25, %max3A_26 : vector<2048x64xf32>
    %get3A_28 = arith.constant 0 : index
    %get3A_29 = arith.constant 0 : index
    %get3A_30 = vector.load %arg5[%get3A_28, %get3A_29] : memref<64x64xf32, #tpu.memory_space<vmem>>, vector<64x64xf32>
    %dot_general3A_31 = arith.constant dense<0.000000e+00> : vector<2048x64xf32>
    %dot_general3A_32 = tpu.matmul %max3A_27, %get3A_30, %dot_general3A_31 {dimension_numbers = #tpu.dot_dimension_numbers<[1], [0], [0], [1], [0, 0, 1, 1], [], []>, transpose_lhs_hint = false} : vector<2048x64xf32>, vector<64x64xf32>, vector<2048x64xf32> -> vector<2048x64xf32>
    %get3A_33 = arith.constant 0 : index
    %get3A_34 = arith.constant 0 : index
    %get3A_35 = vector.load %arg6[%get3A_33, %get3A_34] : memref<1x64xf32, #tpu.memory_space<vmem>>, vector<1x64xf32>
    %add3A_36 = vector.broadcast %get3A_35 : vector<1x64xf32> to vector<2048x64xf32>
    %add3A_37 = arith.addf %dot_general3A_32, %add3A_36 : vector<2048x64xf32>
    %max3A_38 = arith.constant 0.000000e+00 : f32
    %max3A_39 = vector.broadcast %max3A_38 : f32 to vector<2048x64xf32>
    %max3A_40 = arith.maximumf %add3A_37, %max3A_39 : vector<2048x64xf32>
    %get3A_41 = arith.constant 0 : index
    %get3A_42 = arith.constant 0 : index
    %get3A_43 = vector.load %arg7[%get3A_41, %get3A_42] : memref<64x16xf32, #tpu.memory_space<vmem>>, vector<64x16xf32>
    %dot_general3A_44 = arith.constant dense<0.000000e+00> : vector<2048x16xf32>
    %dot_general3A_45 = tpu.matmul %max3A_40, %get3A_43, %dot_general3A_44 {dimension_numbers = #tpu.dot_dimension_numbers<[1], [0], [0], [1], [0, 0, 1, 1], [], []>, transpose_lhs_hint = false} : vector<2048x64xf32>, vector<64x16xf32>, vector<2048x16xf32> -> vector<2048x16xf32>
    %get3A_46 = arith.constant 0 : index
    %get3A_47 = arith.constant 0 : index
    %get3A_48 = vector.load %arg8[%get3A_46, %get3A_47] : memref<1x16xf32, #tpu.memory_space<vmem>>, vector<1x16xf32>
    %add3A_49 = vector.broadcast %get3A_48 : vector<1x16xf32> to vector<2048x16xf32>
    %add3A_50 = arith.addf %dot_general3A_45, %add3A_49 : vector<2048x16xf32>
    %swap3A = arith.constant 0 : index
    %swap3A_51 = arith.constant 0 : index
    %swap3A_52 = vector.load %arg9[%swap3A, %swap3A_51] : memref<2048x16xf32, #tpu.memory_space<vmem>>, vector<2048x16xf32>
    tpu.vector_store %arg9[%swap3A, %swap3A_51], %add3A_50 {strides = array<i32>} : memref<2048x16xf32, #tpu.memory_space<vmem>>, vector<2048x16xf32>,
    return
  }
  func.func @transform_0(%arg0: i32) -> (i32, i32) {
    %c0_i32 = arith.constant 0 : i32
    %c0_i32_0 = arith.constant 0 : i32
    return %arg0, %c0_i32 : i32, i32
  }
  func.func @transform_1(%arg0: i32) -> (i32, i32) {
    %c0_i32 = arith.constant 0 : i32
    %c0_i32_0 = arith.constant 0 : i32
    %c0_i32_1 = arith.constant 0 : i32
    return %c0_i32, %c0_i32_0 : i32, i32
  }
  func.func @transform_2(%arg0: i32) -> (i32, i32) {
    %c0_i32 = arith.constant 0 : i32
    %c0_i32_0 = arith.constant 0 : i32
    %c0_i32_1 = arith.constant 0 : i32
    return %c0_i32, %c0_i32_0 : i32, i32
  }
  func.func @transform_3(%arg0: i32) -> (i32, i32) {
    %c0_i32 = arith.constant 0 : i32
    %c0_i32_0 = arith.constant 0 : i32
    %c0_i32_1 = arith.constant 0 : i32
    return %c0_i32, %c0_i32_0 : i32, i32
  }
  func.func @transform_4(%arg0: i32) -> (i32, i32) {
    %c0_i32 = arith.constant 0 : i32
    %c0_i32_0 = arith.constant 0 : i32
    %c0_i32_1 = arith.constant 0 : i32
    return %c0_i32, %c0_i32_0 : i32, i32
  }
  func.func @transform_5(%arg0: i32) -> (i32, i32) {
    %c0_i32 = arith.constant 0 : i32
    %c0_i32_0 = arith.constant 0 : i32
    %c0_i32_1 = arith.constant 0 : i32
    return %c0_i32, %c0_i32_0 : i32, i32
  }
  func.func @transform_6(%arg0: i32) -> (i32, i32) {
    %c0_i32 = arith.constant 0 : i32
    %c0_i32_0 = arith.constant 0 : i32
    %c0_i32_1 = arith.constant 0 : i32
    return %c0_i32, %c0_i32_0 : i32, i32
  }
  func.func @transform_7(%arg0: i32) -> (i32, i32) {
    %c0_i32 = arith.constant 0 : i32
    %c0_i32_0 = arith.constant 0 : i32
    %c0_i32_1 = arith.constant 0 : i32
    return %c0_i32, %c0_i32_0 : i32, i32
  }
  func.func @transform_8(%arg0: i32) -> (i32, i32) {
    %c0_i32 = arith.constant 0 : i32
    %c0_i32_0 = arith.constant 0 : i32
    return %arg0, %c0_i32 : i32, i32
  }
}

</mosaic_0001>

<sc_bundles>
// kernel: kernel.4.cloned.1.call-start
scs
__scs_entry_jumppad:
0x0: {  	(pc) =	sbr.rel $0x88, $3  }
0x1: {  	(tag) =	ssettag $0x0;
	lr =	simm.s32 $0x1  }
0x2: {  	[smem:$0x3F99] =	sst lr;
	_ =	strace $0xD0000000  }
0x3: {  	_ = 	snop  }
0x4: {  	_ = 	snop  }
0x5: {  	_ = 	snop  }
0x6: {  	_ = 	snop  }
0x7: {  	_ = 	snop  }
__scs_overlays_trampoline_lowered:
0x8: {  	[smem:$0x3FA8] =	sst s0  }
0x9: {  	[smem:$0x3FA9] =	sst s1  }
0xa: {  	[smem:$0x3FAA] =	sst s2  }
0xb: {  	[smem:$0x3FAB] =	sst s3  }
0xc: {  	[smem:$0x3FAC] =	sst s4  }
0xd: {  	[smem:$0x3FAD] =	sst s5  }
0xe: {  	[smem:$0x3FAE] =	sst s6  }
0xf: {  	[smem:$0x3FAF] =	sst s7  }
0x10: {  	[smem:$0x3FB0] =	sst s8  }
0x11: {  	[smem:$0x3FB1] =	sst s9;
	s0 =	simm.s32 @!p0 $0x0  }
0x12: {  	s1 =	sld [smem:$0x3F97];
	s0 =	simm.s32 @p0 $0x1  }
0x13: {  	[smem:$0x3FB2] =	sst s0;
	s0 =	simm.s32 @!p1 $0x0  }
0x14: {  	s2 =	sld [smem:$0x3F96];
	s0 =	simm.s32 @p1 $0x1  }
0x15: {  	[smem:$0x3FB3] =	sst s0;
	s0 =	simm.s32 @!p2 $0x0  }
0x16: {  	s3 =	sld [smem:$0x3FDB];
	s0 =	simm.s32 @p2 $0x1  }
0x17: {  	s4 =	simm.s32 $0x1BF5;
	[smem:$0x3FB5] =	sst s0  }
0x18: {  	s0 =	sld [smem:$0x3F98];
	_ =	swait.ge [sflag:s4], $0x0  }
0x19: {  	s7 =	sld [smem:$0x3F99]  }
0x1a: {  	s8 =	sadd.s32 $0xFFFFE003, lr  }
0x1b: {  	s9 =	sadd.s32 $0xFFFFFEF7, lr;
	s5 =	simm.s32 $0xFFFFFFFF;
	p2 =	slt.u32 s8, $0xFFFFF086  }
0x1c: {  	p1 =	slt.u32 s9, $0xF7A;
	s5 =	simm.s32 @!p2 $0x0  }
0x1d: {  	s5 =	simm.s32 @p1 $0x1;
	p0 =	seq.s32 s7, s2  }
0x1e: {  	s7 =	smul.u32 @!p0 $0xF7A, s2;
	p2 =	seq.s32 @!p0 s5, $0x0  }
0x1f: {  	s9 =	smul.u32 $0xF7A, s1;
	s8 =	simm.s32 @!p0 $0x1BF5;
	p2 =	por !p2, p0  }
0x20: {  	[sflag:s8] =	ssyncset.s32 @!p0 $0xFFFFF086;
	s6 =	sadd.s32 @!p0 s3, s7;
	s7 =	simm.s32 @!p0 $0x108  }
0x21: {  	s3 =	sadd.s32 s3, s9;
	s6 =	sadd.s32 @!p0 $0x88, s6;
	s7 =	simm.s32 @p2 $0x1082  }
0x22: {  	[simem:s7], [sflag:s8] =	dma.local @!p0 [hbm:s6], $0xF7A  }
0x23: {  	s9 =	sor.u32 $0xD0000000, s2;
	s6 =	simm.s32 $0x108;
	_ =	swait.ge @!p0 [sflag:s8], $0x0  }
0x24: {  	s3 =	sadd.s32 $0x88, s3;
	s6 =	simm.s32 @!p1 $0x1082;
	[sflag:s4] =	ssyncset.s32 $0xFFFFF086  }
0x25: {  	[simem:s6], [sflag:s4] =	dma.local [hbm:s3], $0xF7A  }
0x26: {  	[smem:$0x3F99] =	sst s1;
	(tag) =	ssettag s2;
	_ =	strace s9  }
0x27: {  	s1 =	sld [smem:$0x3FA9]  }
0x28: {  	s2 =	sld [smem:$0x3FAA]  }
0x29: {  	s4 =	sld [smem:$0x3FAC]  }
0x2a: {  	p0 =	seq.s32 s5, $0x0;
	s5 =	sld [smem:$0x3FAD]  }
0x2b: {  	s6 =	sld [smem:$0x3FAE]  }
0x2c: {  	s7 =	sld [smem:$0x3FAF]  }
0x2d: {  	s3 =	simm.s32 $0x108;
	s8 =	sld [smem:$0x3FB0]  }
0x2e: {  	s3 =	simm.s32 @!p0 $0x1082;
	s9 =	sld [smem:$0x3FB1]  }
0x2f: {  	lr =	sadd.s32 s0, s3;
	s0 =	sld [smem:$0x3FA8]  }
0x30: {  	s3 =	sld [smem:$0x3FAB]  }
0x31: {  	[smem:$0x3FB4] =	sst s10  }
0x32: {  	s10 =	sld [smem:$0x3FB2];
	_ =	sdelay $0x3  }
0x33: {  	p0 =	seq.s32 s10, $0x1;
	s10 =	sld [smem:$0x3FB4];
	_ =	sdelay $0x3  }
0x34: {  	[smem:$0x3FB4] =	sst s10  }
0x35: {  	s10 =	sld [smem:$0x3FB3];
	_ =	sdelay $0x3  }
0x36: {  	p1 =	seq.s32 s10, $0x1;
	s10 =	sld [smem:$0x3FB4];
	_ =	sdelay $0x3  }
0x37: {  	[smem:$0x3FB4] =	sst s10  }
0x38: {  	s10 =	sld [smem:$0x3FB5]  }
0x39: {  	_ = 	snop;
	(pc) =	sbr.ind lr, $3  }
0x3a: {  	_ = 	snop  }
0x3b: {  	_ = 	snop  }
0x3c: {  	p2 =	seq.s32 s10, $0x1;
	s10 =	sld [smem:$0x3FB4]  }
0x3d: {  	_ =	shalt  }
0x3e: {  	_ =	shalt  }
0x3f: {  	_ =	shalt  }
0x40: {  	_ =	shalt  }
0x41: {  	_ =	shalt  }
0x42: {  	_ =	shalt  }
0x43: {  	_ =	shalt  }
0x44: {  	_ =	shalt  }
0x45: {  	_ =	shalt  }
0x46: {  	_ =	shalt  }
0x47: {  	_ =	shalt  }
0x48: {  	_ =	shalt  }
0x49: {  	_ =	shalt  }
0x4a: {  	_ =	shalt  }
0x4b: {  	_ =	shalt  }
0x4c: {  	_ =	shalt  }
0x4d: {  	_ =	shalt  }
0x4e: {  	_ =	shalt  }
0x4f: {  	_ =	shalt  }
0x50: {  	_ =	shalt  }
0x51: {  	_ =	shalt  }
0x52: {  	_ =	shalt  }
0x53: {  	_ =	shalt  }
0x54: {  	_ =	shalt  }
0x55: {  	_ =	shalt  }
0x56: {  	_ =	shalt  }
0x57: {  	_ =	shalt  }
0x58: {  	_ =	shalt  }
0x59: {  	_ =	shalt  }
0x5a: {  	_ =	shalt  }
0x5b: {  	_ =	shalt  }
0x5c: {  	_ =	shalt  }
0x5d: {  	_ =	shalt  }
0x5e: {  	_ =	shalt  }
0x5f: {  	_ =	shalt  }
0x60: {  	_ =	shalt  }
0x61: {  	_ =	shalt  }
0x62: {  	_ =	shalt  }
0x63: {  	_ =	shalt  }
0x64: {  	_ =	shalt  }
0x65: {  	_ =	shalt  }
0x66: {  	_ =	shalt  }
0x67: {  	_ =	shalt  }
0x68: {  	_ =	shalt  }
0x69: {  	_ =	shalt  }
0x6a: {  	_ =	shalt  }
0x6b: {  	_ =	shalt  }
0x6c: {  	_ =	shalt  }
0x6d: {  	_ =	shalt  }
0x6e: {  	_ =	shalt  }
0x6f: {  	_ =	shalt  }
0x70: {  	_ =	shalt  }
0x71: {  	_ =	shalt  }
0x72: {  	_ =	shalt  }
0x73: {  	_ =	shalt  }
0x74: {  	_ =	shalt  }
0x75: {  	_ =	shalt  }
0x76: {  	_ =	shalt  }
0x77: {  	_ =	shalt  }
0x78: {  	_ =	shalt  }
0x79: {  	_ =	shalt  }
0x7a: {  	_ =	shalt  }
0x7b: {  	_ =	shalt  }
0x7c: {  	_ =	shalt  }
0x7d: {  	_ =	shalt  }
0x7e: {  	_ =	shalt  }
0x7f: {  	_ =	shalt  }
0x80: {  	_ =	shalt  }
0x81: {  	_ =	shalt  }
0x82: {  	_ =	shalt  }
0x83: {  	_ =	shalt  }
0x84: {  	_ =	shalt  }
0x85: {  	_ =	shalt  }
0x86: {  	_ =	shalt  }
0x87: {  	_ =	shalt  }
.Lfunc_end0:
.L_simem_size_0:
called_computation_lowered:
.L_overlay_start_0:
0x88: {  	s2 =	sld [smem:$0x3FD9]  }
0x89: {  	s3 =	sld [smem:$0x3FFE];
	_ =	sdelay $0x1  }
0x8a: {  	s1 =	srdreg.scid  }
0x8b: {  	s0 =	sand.u32 $0x1, s1  }
0x8c: {  	s17 =	sshll.u32 s0, $0xA;
	s2 =	sadd.s32 s3, s2  }
0x8d: {  	s2 =	sadd.s32 s2, s17  }
0x8e: {  	[smem:$0x3FC0] =	sst s2  }
0x8f: {  	_ = 	snop  }
0x90: {  	s2 =	sld [smem:$0x3FC9]  }
0x91: {  	s18 =	sld [smem:$0x3FD0];
	(tm) =	ssettm $0x1  }
0x92: {  	s4 =	sld [smem:$0x3FFB];
	_ =	sdelay $0x3  }
0x93: {  	_ =	strace s4  }
0x94: {  	s4 =	sld [smem:$0x3FFC];
	_ =	sdelay $0x3  }
0x95: {  	_ =	strace s4  }
0x96: {  	s4 =	sld [smem:$0x3FFD];
	_ =	sdelay $0x3  }
0x97: {  	_ =	strace s4  }
0x98: {  	_ =	strace $0x8FFFFFFF  }
0x99: {  	s19 =	sld [smem:$0x3FDB];
	_ =	sdelay $0x1  }
0x9a: {  	s5 =	simm.s32 $_scs_section_size  }
0x9b: {  	s6 =	simm.s32 $_size__tile_overlayer_lowered;
	s7 =	simm.s32 $_tile_overlayer_lowered  }
0x9c: {  	s22 =	simm.s32 $0x1BFF;
	s21 =	sshll.u32 s7, $0x1;
	s4 =	sadd.s32 s5, s19  }
0x9d: {  	s8 =	simm.s32 $0x0;
	s20 =	sshll.u32 s6, $0x1;
	s6 =	sadd.s32 s21, s4  }
0x9e: {  	[timem:s8], [sflag:s22] =	dma.local [hbm:s6], s20  }
0x9f: {  	_ =	swait.ge [sflag:s22], s20  }
0xa0: {  	s5 =	ssub.s32 $0x0, s20;
	[sflag:s22] =	ssyncset.done $0x0  }
0xa1: {  	[sflag:s22] =	ssyncadd.s32 s5;
	_ =	sdelay $0x1  }
0xa2: {  	s23 =	simm.s32 $0x1B8B  }
0xa3: {  	_ =	swait.ge [sflag:s23], $0x1  }
0xa4: {  	[sflag:s23] =	ssyncset.done $0x0  }
0xa5: {  	s25 =	simm.s32 $0x1B8E;
	s24 =	sld [smem:$0x3FFE];
	[sflag:s23] =	ssyncadd.s32 $0xFFFFFFFF  }
0xa6: {  	s26 =	simm.s32 $execute0_lowered;
	[smem:$0x3FD2] =	sst s25  }
0xa7: {  	s6 =	sshll.u32 s26, $0x1;
	_ =	strace $0x80000046;
	[dreg:$0x1] =	wrdreg $0xFFFFFFFF  }
0xa8: {  	s28 =	simm.s32 $_size_execute0_lowered;
	s4 =	sadd.s32 s4, s6;
	[dreg:$0x0] =	wrdreg $0x0  }
0xa9: {  	s6 =	sshll.u32 s28, $0x1;
	[dreg:$0x2] =	wrdreg s4  }
0xaa: {  	[dreg:$0x3] =	wrdreg s6  }
0xab: {  	[dreg:$0x4] =	wrdreg $0xC0  }
0xac: {  	_ =	task [dreg:s8], $0x5FFFF  }
0xad: {  	[dreg:$0x1] =	wrdreg $0xFFFFFFFF  }
0xae: {  	[dreg:$0x0] =	wrdreg $0x60  }
0xaf: {  	[dreg:$0x2] =	wrdreg s2  }
0xb0: {  	[dreg:$0x3] =	wrdreg s24  }
0xb1: {  	[dreg:$0x4] =	wrdreg s18  }
0xb2: {  	[dreg:$0x5] =	wrdreg $0x9  }
0xb3: {  	_ =	task.clear_ibuf [dreg:s8], $0x6FFFF;
	_ =	strace $0x90000046  }
0xb4: {  	s29 =	simm.s32 $0x9;
	_ =	strace $0x80000048  }
0xb5: {  	_ =	swait.ge [sflag:s29], $0x1  }
0xb6: {  	[sflag:s29] =	ssyncadd.s32 $0xFFFFFFFF  }
0xb7: {  	_ =	strace $0x90000048  }
0xb8: {  	_ =	sfence  }
0xb9: {  	s30 =	sld [smem:$0x0];
	_ =	sdelay $0x2  }
0xba: {  	s31 =	sshll.u32 s1, $0xD;
	s1 =	sshrl.u32 s1, $0x2  }
0xbb: {  	s3 =	sand.u32 $0x4000, s31;
	s1 =	sadd.s32 s1, s30  }
0xbc: {  	s0 =	sor.u32 s3, s0;
	s1 =	sshll.u32 s1, $0x11  }
0xbd: {  	s0 =	sor.u32 s1, s0  }
0xbe: {  	s0 =	sadd.s32 $0x8F2B, s0  }
0xbf: {  	[sflag:s0] =	ssyncadd.remote.s32 $0x1  }
0xc0: {  	_ =	sfence.sel $0xFFFF  }
0xc1: {  	[dreg:$0x0] =	wrdreg $0xFFFFFFFF;
	(pc) =	sbr.abs _section_cstart, $3  }
0xc2: {  	[dreg:$0x1] =	wrdreg $0xFFFFFFFF  }
0xc3: {  	_ =	task.clear_ibuf [dreg:s8], $0x2FFFF;
	_ =	strace $0x9FFFFFFF  }
0xc4: {  	(tm) =	ssettm $0x7FFFFFFF  }
0xc5: {  	_ =	shalt  }
tec
execute0_lowered:
.L_overlay_start_1:
0x0: {  	(tag) =	ssettag $0x1  }
0x1: {  	s0 =	rddreg [dreg:$0x0]  }
0x2: {  	s1 =	rddreg [dreg:$0x1]  }
0x3: {  	s7 =	rddreg [dreg:$0x2]  }
0x4: {  	s3 =	srdreg.scid;
	s5 =	stileid.u32  }
0x5: {  	s2 =	simm.s32 $0x0;
	s9 =	simm.s32 $0x8200;
	s10 =	simm.s32 $0x5  }
0x6: {  	s11 =	simm.s32 $0x80;
	s12 =	simm.s32 $0x200;
	s18 =	simm.s32 $0x1  }
0x7: {  	s19 =	simm.s32 $0x2;
	s20 =	simm.s32 $0xE400;
	s22 =	simm.s32 $0x10400  }
0x8: {  	s29 =	simm.s32 $0x16400;
	s31 =	simm.s32 $0x18400;
	s13 =	simm.s32 $0x8580  }
0x9: {  	s14 =	simm.s32 $0x1C400;
	s15 =	simm.s32 $0x3;
	s16 =	simm.s32 $0x4  }
0xa: {  	s17 =	simm.s32 $0x1E400;
	s21 =	simm.s32 $0x0;
	s4 =	sand.u32 $0x1, s3  }
0xb: {  	s23 =	sshll.u32 s5, $0x1;
	[smem:$0x7FF] =	sst s2;
	s3 =	sadd.s32 $0xF43A00, s1  }
0xc: {  	s6 =	sor.u32 s4, s23;
	_ =	strace $0x80000047;
	s4 =	ssub.s32 $0x2, s4  }
0xd: {  	s24 =	smul.u32 $0x6200, s6;
	s8 =	sshll.u32 s6, $0xC;
	s25 =	sshrl.u32 s4, $0x1  }
0xe: {  	s28 =	sshll.u32 s6, $0x6;
	s30 =	sshll.u32 s6, $0x3;
	s1 =	sadd.s32 s8, s1  }
0xf: {  	s8 =	ssub.s32 s4, s25;
	s7 =	sadd.s32 s7, s30;
	s5 =	sshrl.u32 s24, $0x3  }
0x10: {  	s6 =	sadd.s32 $0x1600, s1;
	s8 =	smax.u32 s8, $0x1;
	s24 =	simm.s32 $0x12400  }
0x11: {  	s1 =	simm.s32 $0x1A400;
	s26 =	sadd.s32 s0, s5;
	s5 =	sadd.s32 s0, s28  }
0x12: {  	s0 =	simm.s32 $0x8500;
	s4 =	sadd.s32 $0x800, s26;
	s26 =	simm.s32 $0x14400  }
.LBB2_1:
0x13: {  	[tilespmem:s9], [sflag:$0x2] =	stream.linear.gather [hbm4b:s4+s2], $0x6200, $0x38;
	[tilespmem:$0x1E440] =	vst v63  }
0x14: {  	_ = 	snop  }
0x15: {  	[tilespmem:s2], [sflag:$0x5] =	stream.linear.gather [hbm4b:s5+s2], $0x200, $0x38;
	[tilespmem:$0x1E440] =	vst v63  }
0x16: {  	_ =	swait.ge [sflag:s10], $0x200  }
0x17: {  	[sflag:s10] =	ssyncset.done $0x0  }
0x18: {  	[sflag:s10] =	ssyncadd.s32 $0xFFFFFE00  }
0x19: {  	[tilespmem:s12], [sflag:$0x1] =	stream.indirect.gather [hbm4b:s3+s11], $0x40, s2, s11, $0xb8;
	[tilespmem:$0x1E440] =	vst v63  }
0x1a: {  	s23 =	simm.s32 $0x2200  }
0x1b: {  	[tilespmem:s23], [sflag:$0x1] =	stream.indirect.gather [hbm4b:s3+s11], $0x40, s11, s11, $0xb8;
	[tilespmem:$0x1E440] =	vst v63  }
0x1c: {  	s30 =	simm.s32 $0x100;
	s25 =	simm.s32 $0x4200  }
0x1d: {  	[tilespmem:s25], [sflag:$0x1] =	stream.indirect.gather [hbm4b:s3+s11], $0x40, s30, s11, $0xb8;
	[tilespmem:$0x1E440] =	vst v63  }
0x1e: {  	s28 =	simm.s32 $0x180;
	s30 =	simm.s32 $0x6200  }
0x1f: {  	[tilespmem:s30], [sflag:$0x1] =	stream.indirect.gather [hbm4b:s3+s11], $0x40, s28, s11, $0xb8;
	[tilespmem:$0x1E440] =	vst v63  }
0x20: {  	_ =	swait.ge [sflag:s18], $0x2000  }
0x21: {  	[sflag:s18] =	ssyncset.done $0x0  }
0x22: {  	[sflag:s18] =	ssyncadd.s32 $0xFFFFE000  }
0x23: {  	_ =	swait.ge [sflag:s18], $0x2000  }
0x24: {  	[sflag:s18] =	ssyncset.done $0x0  }
0x25: {  	[sflag:s18] =	ssyncadd.s32 $0xFFFFE000  }
0x26: {  	_ =	swait.ge [sflag:s18], $0x2000  }
0x27: {  	[sflag:s18] =	ssyncset.done $0x0  }
0x28: {  	[sflag:s18] =	ssyncadd.s32 $0xFFFFE000  }
0x29: {  	_ =	swait.ge [sflag:s18], $0x2000  }
0x2a: {  	[sflag:s18] =	ssyncset.done $0x0  }
0x2b: {  	[sflag:s18] =	ssyncadd.s32 $0xFFFFE000  }
0x2c: {  	[hbm4b:s6+s2] =	stream.linear.scatter [tilespmem:s12], [sflag:$0x5], $0x8000, $0x38;
	[tilespmem:$0x1E440] =	vst v63  }
0x2d: {  	_ =	swait.ge [sflag:s10], $0x8000  }
0x2e: {  	[sflag:s10] =	ssyncset.done $0x0  }
0x2f: {  	[sflag:s10] =	ssyncadd.s32 $0xFFFF8000  }
0x30: {  	_ =	swait.ge [sflag:s19], $0x6200  }
0x31: {  	[sflag:s19] =	ssyncset.done $0x0  }
0x32: {  	[sflag:s19] =	ssyncadd.s32 $0xFFFF9E00  }
0x33: {  	[tilespmem:s20], [sflag:$0x3] =	stream.indirect.gather [hbm4b:s3+s11], $0x40, s9, s11, $0xb8;
	[tilespmem:$0x1E440] =	vst v63  }
0x34: {  	s28 =	simm.s32 $0x8280  }
0x35: {  	[tilespmem:s22], [sflag:$0x3] =	stream.indirect.gather [hbm4b:s3+s11], $0x40, s28, s11, $0xb8;
	[tilespmem:$0x1E440] =	vst v63  }
0x36: {  	s30 =	simm.s32 $0x8300  }
0x37: {  	[tilespmem:s24], [sflag:$0x3] =	stream.indirect.gather [hbm4b:s3+s11], $0x40, s30, s11, $0xb8;
	[tilespmem:$0x1E440] =	vst v63  }
0x38: {  	s25 =	simm.s32 $0x8380  }
0x39: {  	[tilespmem:s26], [sflag:$0x3] =	stream.indirect.gather [hbm4b:s3+s11], $0x40, s25, s11, $0xb8;
	[tilespmem:$0x1E440] =	vst v63  }
0x3a: {  	s28 =	simm.s32 $0x8400  }
0x3b: {  	[tilespmem:s29], [sflag:$0x4] =	stream.indirect.gather [hbm4b:s3+s11], $0x40, s28, s11, $0xb8;
	[tilespmem:$0x1E440] =	vst v63  }
0x3c: {  	s30 =	simm.s32 $0x8480  }
0x3d: {  	[tilespmem:s31], [sflag:$0x4] =	stream.indirect.gather [hbm4b:s3+s11], $0x40, s30, s11, $0xb8;
	[tilespmem:$0x1E440] =	vst v63  }
0x3e: {  	_ = 	snop  }
0x3f: {  	[tilespmem:s1], [sflag:$0x4] =	stream.indirect.gather [hbm4b:s3+s11], $0x40, s0, s11, $0xb8;
	[tilespmem:$0x1E440] =	vst v63  }
0x40: {  	v0 =	vimm.f32 $0.0e+00;
	s23 =	simm.s32 $0x0  }
0x41: {  	v1 =	vimm.f32 $0.0e+00;
	v2 =	vimm.f32 $0.0e+00;
	v3 =	vimm.f32 $0.0e+00;
	[tilespmem:s14], [sflag:$0x4] =	stream.indirect.gather [hbm4b:s3+s11], $0x40, s13, s11, $0xb8;
	[tilespmem:$0x1E440] =	vst v63  }
.LBB2_2:
0x42: {  	_ =	swait.ge [sflag:s15], $0x8000  }
0x43: {  	[sflag:s15] =	ssyncset.done $0x0  }
0x44: {  	s28 =	simm.s32 $0x0;
	[sflag:s15] =	ssyncadd.s32 $0xFFFF8000  }
0x45: {  	v5 =	vld [tilespmem:s28+$0xE5C0]  }
0x46: {  	v6 =	vld [tilespmem:s28+$0xE5D0]  }
0x47: {  	v7 =	vld [tilespmem:s28+$0xE580]  }
0x48: {  	v8 =	vld [tilespmem:s28+$0xE590]  }
0x49: {  	v9 =	vld [tilespmem:s28+$0xE540]  }
0x4a: {  	v10 =	vld [tilespmem:s28+$0xE550]  }
0x4b: {  	v12 =	vld [tilespmem:s28+$0xE500]  }
0x4c: {  	v13 =	vld [tilespmem:s28+$0xE510]  }
0x4d: {  	v15 =	vld [tilespmem:s28+$0xE4C0]  }
0x4e: {  	v16 =	vld [tilespmem:s28+$0xE4D0]  }
0x4f: {  	v11 =	vld [tilespmem:s28+$0xE480]  }
0x50: {  	v14 =	vld [tilespmem:s28+$0xE490]  }
0x51: {  	v17 =	vld [tilespmem:s28+$0xE440]  }
0x52: {  	v18 =	vld [tilespmem:s28+$0xE450]  }
0x53: {  	v20 =	vld [tilespmem:s28+$0xE400]  }
0x54: {  	v21 =	vld [tilespmem:s28+$0xE410]  }
0x55: {  	s25 =	simm.s32 $0x800;
	v19 =	vld [tilespmem:s28+$0xE420]  }
.LBB2_3:
0x56: {  	p0 =	sne.s32 s25, $0x1F800;
	v4 =	vld [tilespmem:s28+$0xE430]  }
0x57: {  	v22 =	vld [tilespmem:s28+$0xE460]  }
0x58: {  	v23 =	vld [tilespmem:s28+$0xE470]  }
0x59: {  	v24 =	vld [tilespmem:s28+$0xE4A0]  }
0x5a: {  	v3 =	vadd.f32 v20, v3;
	v2 =	vadd.f32 v21, v2;
	v20 =	vld [tilespmem:s28+$0xE4B0]  }
0x5b: {  	v1 =	vadd.f32 v19, v1;
	v0 =	vadd.f32 v4, v0;
	v4 =	vld [tilespmem:s28+$0xE4E0]  }
0x5c: {  	v3 =	vadd.f32 v17, v3;
	v2 =	vadd.f32 v18, v2;
	v17 =	vld [tilespmem:s28+$0xE4F0]  }
0x5d: {  	v1 =	vadd.f32 v22, v1;
	v0 =	vadd.f32 v23, v0;
	v18 =	vld [tilespmem:s28+$0xE520]  }
0x5e: {  	v3 =	vadd.f32 v11, v3;
	v2 =	vadd.f32 v14, v2;
	v11 =	vld [tilespmem:s28+$0xE530]  }
0x5f: {  	v1 =	vadd.f32 v24, v1;
	v0 =	vadd.f32 v20, v0;
	v14 =	vld [tilespmem:s28+$0xE560]  }
0x60: {  	v3 =	vadd.f32 v15, v3;
	v2 =	vadd.f32 v16, v2;
	v15 =	vld [tilespmem:s28+$0xE570]  }
0x61: {  	v1 =	vadd.f32 v4, v1;
	v0 =	vadd.f32 v17, v0;
	v4 =	vld [tilespmem:s28+$0xE5A0]  }
0x62: {  	v3 =	vadd.f32 v12, v3;
	v2 =	vadd.f32 v13, v2;
	v12 =	vld [tilespmem:s28+$0xE5B0]  }
0x63: {  	v1 =	vadd.f32 v18, v1;
	v0 =	vadd.f32 v11, v0;
	v11 =	vld [tilespmem:s28+$0xE5E0]  }
0x64: {  	v3 =	vadd.f32 v9, v3;
	v2 =	vadd.f32 v10, v2;
	v10 =	vld [tilespmem:s28+$0xE5F0];
	s28 =	sshra.s32 s25, $0x2  }
0x65: {  	v1 =	vadd.f32 v14, v1;
	v13 =	vld [tilespmem:s28+$0xE5C0];
	v0 =	vadd.f32 v15, v0  }
0x66: {  	v3 =	vadd.f32 v7, v3;
	v2 =	vadd.f32 v8, v2;
	v14 =	vld [tilespmem:s28+$0xE5D0]  }
0x67: {  	v1 =	vadd.f32 v4, v1;
	v7 =	vld [tilespmem:s28+$0xE580];
	v0 =	vadd.f32 v12, v0  }
0x68: {  	v3 =	vadd.f32 v5, v3;
	v2 =	vadd.f32 v6, v2;
	v8 =	vld [tilespmem:s28+$0xE590]  }
0x69: {  	v1 =	vadd.f32 v11, v1;
	v9 =	vld [tilespmem:s28+$0xE540];
	v0 =	vadd.f32 v10, v0  }
0x6a: {  	v10 =	vld [tilespmem:s28+$0xE550];
	v5 =	vmov v13  }
0x6b: {  	v12 =	vld [tilespmem:s28+$0xE500];
	v6 =	vmov v14  }
0x6c: {  	v13 =	vld [tilespmem:s28+$0xE510]  }
0x6d: {  	v15 =	vld [tilespmem:s28+$0xE4C0]  }
0x6e: {  	v16 =	vld [tilespmem:s28+$0xE4D0]  }
0x6f: {  	v11 =	vld [tilespmem:s28+$0xE480]  }
0x70: {  	v14 =	vld [tilespmem:s28+$0xE490]  }
.Ltmp0:
0x71: {  	v17 =	vld [tilespmem:s28+$0xE440];
	(pc) =	sbr.rel @p0 .LBB2_3-.Ltmp0, $4  }
0x72: {  	v18 =	vld [tilespmem:s28+$0xE450]  }
0x73: {  	v20 =	vld [tilespmem:s28+$0xE400]  }
0x74: {  	v21 =	vld [tilespmem:s28+$0xE410]  }
0x75: {  	s25 =	sadd.s32 $0x800, s25;
	v19 =	vld [tilespmem:s28+$0xE420]  }
0x76: {  	v22 =	vld [tilespmem:s28+$0xE430]  }
0x77: {  	v23 =	vld [tilespmem:s28+$0xE460]  }
0x78: {  	v24 =	vld [tilespmem:s28+$0xE470]  }
0x79: {  	v25 =	vld [tilespmem:s28+$0xE4A0]  }
0x7a: {  	v26 =	vld [tilespmem:s28+$0xE4B0]  }
0x7b: {  	v27 =	vld [tilespmem:s28+$0xE4E0]  }
0x7c: {  	v28 =	vld [tilespmem:s28+$0xE4F0]  }
0x7d: {  	v29 =	vld [tilespmem:s28+$0xE520]  }
0x7e: {  	v30 =	vld [tilespmem:s28+$0xE530]  }
0x7f: {  	v31 =	vld [tilespmem:s28+$0xE560]  }
0x80: {  	v32 =	vld [tilespmem:s28+$0xE570]  }
0x81: {  	v33 =	vld [tilespmem:s28+$0xE5A0]  }
0x82: {  	v34 =	vld [tilespmem:s28+$0xE5B0];
	s25 =	sshll.u32 s23, $0xC  }
0x83: {  	v35 =	vld [tilespmem:s28+$0xE5E0];
	s25 =	sshra.s32 s25, $0x2  }
0x84: {  	v36 =	vld [tilespmem:s28+$0xE5F0];
	s28 =	sadd.s32 $0x8600, s25  }
0x85: {  	[tilespmem:s20], [sflag:$0x3] =	stream.indirect.gather [hbm4b:s3+s11], $0x40, s28, s11, $0xb8;
	[tilespmem:$0x1E440] =	vst v63  }
0x86: {  	s28 =	sadd.s32 $0x8680, s25  }
0x87: {  	[tilespmem:s22], [sflag:$0x3] =	stream.indirect.gather [hbm4b:s3+s11], $0x40, s28, s11, $0xb8;
	[tilespmem:$0x1E440] =	vst v63  }
0x88: {  	s28 =	sadd.s32 $0x8700, s25  }
0x89: {  	[tilespmem:s24], [sflag:$0x3] =	stream.indirect.gather [hbm4b:s3+s11], $0x40, s28, s11, $0xb8;
	[tilespmem:$0x1E440] =	vst v63  }
0x8a: {  	s28 =	sadd.s32 $0x8780, s25  }
0x8b: {  	[tilespmem:s26], [sflag:$0x3] =	stream.indirect.gather [hbm4b:s3+s11], $0x40, s28, s11, $0xb8;
	[tilespmem:$0x1E440] =	vst v63  }
0x8c: {  	_ =	swait.ge [sflag:s16], $0x8000  }
0x8d: {  	[sflag:s16] =	ssyncset.done $0x0  }
0x8e: {  	s28 =	simm.s32 $0x0;
	[sflag:s16] =	ssyncadd.s32 $0xFFFF8000  }
0x8f: {  	v4 =	vld [tilespmem:s28+$0x165C0]  }
0x90: {  	v3 =	vadd.f32 v20, v3;
	v20 =	vadd.f32 v21, v2;
	v2 =	vld [tilespmem:s28+$0x165D0]  }
0x91: {  	v19 =	vadd.f32 v19, v1;
	v21 =	vadd.f32 v22, v0;
	v0 =	vld [tilespmem:s28+$0x16580]  }
0x92: {  	v17 =	vadd.f32 v17, v3;
	v18 =	vadd.f32 v18, v20;
	v1 =	vld [tilespmem:s28+$0x16590]  }
0x93: {  	v19 =	vadd.f32 v23, v19;
	v20 =	vadd.f32 v24, v21;
	v3 =	vld [tilespmem:s28+$0x16540]  }
0x94: {  	v17 =	vadd.f32 v11, v17;
	v18 =	vadd.f32 v14, v18;
	v11 =	vld [tilespmem:s28+$0x16550]  }
0x95: {  	v19 =	vadd.f32 v25, v19;
	v20 =	vadd.f32 v26, v20;
	v14 =	vld [tilespmem:s28+$0x16500]  }
0x96: {  	v17 =	vadd.f32 v15, v17;
	v18 =	vadd.f32 v16, v18;
	v15 =	vld [tilespmem:s28+$0x16510]  }
0x97: {  	v19 =	vadd.f32 v27, v19;
	v20 =	vadd.f32 v28, v20;
	v16 =	vld [tilespmem:s28+$0x164C0]  }
0x98: {  	v17 =	vadd.f32 v12, v17;
	v18 =	vadd.f32 v13, v18;
	v12 =	vld [tilespmem:s28+$0x164D0]  }
0x99: {  	v19 =	vadd.f32 v29, v19;
	v20 =	vadd.f32 v30, v20;
	v13 =	vld [tilespmem:s28+$0x16480]  }
0x9a: {  	v17 =	vadd.f32 v9, v17;
	v18 =	vadd.f32 v10, v18;
	v9 =	vld [tilespmem:s28+$0x16490]  }
0x9b: {  	v10 =	vld [tilespmem:s28+$0x16440];
	v19 =	vadd.f32 v31, v19;
	v20 =	vadd.f32 v32, v20  }
0x9c: {  	v7 =	vadd.f32 v7, v17;
	v17 =	vld [tilespmem:s28+$0x16450];
	v8 =	vadd.f32 v8, v18  }
0x9d: {  	v18 =	vld [tilespmem:s28+$0x16400];
	v21 =	vadd.f32 v33, v19;
	v20 =	vadd.f32 v34, v20  }
0x9e: {  	v5 =	vadd.f32 v5, v7;
	v19 =	vld [tilespmem:s28+$0x16410];
	v6 =	vadd.f32 v6, v8  }
0x9f: {  	s30 =	simm.s32 $0x800;
	v7 =	vadd.f32 v35, v21;
	v8 =	vadd.f32 v36, v20;
	v20 =	vld [tilespmem:s28+$0x16420]  }
.LBB2_5:
0xa0: {  	p0 =	sne.s32 s30, $0x1F800;
	v21 =	vld [tilespmem:s28+$0x16430]  }
0xa1: {  	v22 =	vld [tilespmem:s28+$0x16460]  }
0xa2: {  	v23 =	vld [tilespmem:s28+$0x16470]  }
0xa3: {  	v24 =	vld [tilespmem:s28+$0x164A0]  }
0xa4: {  	v5 =	vadd.f32 v18, v5;
	v6 =	vadd.f32 v19, v6;
	v18 =	vld [tilespmem:s28+$0x164B0]  }
0xa5: {  	v7 =	vadd.f32 v20, v7;
	v8 =	vadd.f32 v21, v8;
	v19 =	vld [tilespmem:s28+$0x164E0]  }
0xa6: {  	v5 =	vadd.f32 v10, v5;
	v6 =	vadd.f32 v17, v6;
	v10 =	vld [tilespmem:s28+$0x164F0]  }
0xa7: {  	v7 =	vadd.f32 v22, v7;
	v8 =	vadd.f32 v23, v8;
	v17 =	vld [tilespmem:s28+$0x16520]  }
0xa8: {  	v5 =	vadd.f32 v13, v5;
	v6 =	vadd.f32 v9, v6;
	v9 =	vld [tilespmem:s28+$0x16530]  }
0xa9: {  	v7 =	vadd.f32 v24, v7;
	v8 =	vadd.f32 v18, v8;
	v13 =	vld [tilespmem:s28+$0x16560]  }
0xaa: {  	v5 =	vadd.f32 v16, v5;
	v6 =	vadd.f32 v12, v6;
	v12 =	vld [tilespmem:s28+$0x16570]  }
0xab: {  	v7 =	vadd.f32 v19, v7;
	v8 =	vadd.f32 v10, v8;
	v10 =	vld [tilespmem:s28+$0x165A0]  }
0xac: {  	v5 =	vadd.f32 v14, v5;
	v6 =	vadd.f32 v15, v6;
	v14 =	vld [tilespmem:s28+$0x165B0]  }
0xad: {  	v7 =	vadd.f32 v17, v7;
	v8 =	vadd.f32 v9, v8;
	v9 =	vld [tilespmem:s28+$0x165E0]  }
0xae: {  	v3 =	vadd.f32 v3, v5;
	v5 =	vadd.f32 v11, v6;
	v11 =	vld [tilespmem:s28+$0x165F0];
	s28 =	sshra.s32 s30, $0x2  }
0xaf: {  	v6 =	vadd.f32 v13, v7;
	v15 =	vld [tilespmem:s28+$0x165C0];
	v7 =	vadd.f32 v12, v8  }
0xb0: {  	v3 =	vadd.f32 v0, v3;
	v8 =	vadd.f32 v1, v5;
	v12 =	vld [tilespmem:s28+$0x165D0]  }
0xb1: {  	v10 =	vadd.f32 v10, v6;
	v0 =	vld [tilespmem:s28+$0x16580];
	v13 =	vadd.f32 v14, v7  }
0xb2: {  	v5 =	vadd.f32 v4, v3;
	v6 =	vadd.f32 v2, v8;
	v1 =	vld [tilespmem:s28+$0x16590]  }
0xb3: {  	v7 =	vadd.f32 v9, v10;
	v3 =	vld [tilespmem:s28+$0x16540];
	v8 =	vadd.f32 v11, v13  }
0xb4: {  	v11 =	vld [tilespmem:s28+$0x16550];
	v4 =	vmov v15  }
0xb5: {  	v14 =	vld [tilespmem:s28+$0x16500];
	v2 =	vmov v12  }
0xb6: {  	v15 =	vld [tilespmem:s28+$0x16510]  }
0xb7: {  	v16 =	vld [tilespmem:s28+$0x164C0]  }
0xb8: {  	v12 =	vld [tilespmem:s28+$0x164D0]  }
0xb9: {  	v13 =	vld [tilespmem:s28+$0x16480]  }
0xba: {  	v9 =	vld [tilespmem:s28+$0x16490]  }
.Ltmp1:
0xbb: {  	v10 =	vld [tilespmem:s28+$0x16440];
	(pc) =	sbr.rel @p0 .LBB2_5-.Ltmp1, $4  }
0xbc: {  	v17 =	vld [tilespmem:s28+$0x16450]  }
0xbd: {  	v18 =	vld [tilespmem:s28+$0x16400]  }
0xbe: {  	v19 =	vld [tilespmem:s28+$0x16410]  }
0xbf: {  	s30 =	sadd.s32 $0x800, s30;
	v20 =	vld [tilespmem:s28+$0x16420]  }
0xc0: {  	v21 =	vld [tilespmem:s28+$0x16430]  }
0xc1: {  	v22 =	vld [tilespmem:s28+$0x16460]  }
0xc2: {  	v23 =	vld [tilespmem:s28+$0x16470]  }
0xc3: {  	v24 =	vld [tilespmem:s28+$0x164A0]  }
0xc4: {  	v52 =	vld [tilespmem:s28+$0x164B0];
	v5 =	vadd.f32 v18, v5;
	v6 =	vadd.f32 v19, v6  }
0xc5: {  	v53 =	vld [tilespmem:s28+$0x164E0];
	v7 =	vadd.f32 v20, v7;
	v8 =	vadd.f32 v21, v8  }
0xc6: {  	v54 =	vld [tilespmem:s28+$0x164F0];
	v5 =	vadd.f32 v10, v5;
	v6 =	vadd.f32 v17, v6  }
0xc7: {  	v55 =	vld [tilespmem:s28+$0x16520];
	v7 =	vadd.f32 v22, v7;
	v8 =	vadd.f32 v23, v8  }
0xc8: {  	v56 =	vld [tilespmem:s28+$0x16530];
	v5 =	vadd.f32 v13, v5;
	v6 =	vadd.f32 v9, v6  }
0xc9: {  	v57 =	vld [tilespmem:s28+$0x16560];
	v7 =	vadd.f32 v24, v7;
	v8 =	vadd.f32 v52, v8  }
0xca: {  	v58 =	vld [tilespmem:s28+$0x16570];
	v5 =	vadd.f32 v16, v5;
	v6 =	vadd.f32 v12, v6  }
0xcb: {  	v59 =	vld [tilespmem:s28+$0x165A0];
	v7 =	vadd.f32 v53, v7;
	v8 =	vadd.f32 v54, v8  }
0xcc: {  	v60 =	vld [tilespmem:s28+$0x165B0];
	v5 =	vadd.f32 v14, v5;
	v6 =	vadd.f32 v15, v6  }
0xcd: {  	v61 =	vld [tilespmem:s28+$0x165E0];
	v7 =	vadd.f32 v55, v7;
	v8 =	vadd.f32 v56, v8  }
0xce: {  	v62 =	vld [tilespmem:s28+$0x165F0];
	p0 =	seq.s32 s23, $0x17;
	v3 =	vadd.f32 v3, v5;
	v5 =	vadd.f32 v11, v6  }
.Ltmp2:
0xcf: {  	v7 =	vadd.f32 v57, v7;
	v8 =	vadd.f32 v58, v8;
	(pc) =	sbr.rel @p0 .LBB2_8-.Ltmp2, $4  }
0xd0: {  	v0 =	vadd.f32 v0, v3;
	v1 =	vadd.f32 v1, v5  }
0xd1: {  	v5 =	vadd.f32 v59, v7;
	v63 =	vadd.f32 v60, v8  }
0xd2: {  	v3 =	vadd.f32 v4, v0;
	v2 =	vadd.f32 v2, v1  }
0xd3: {  	v1 =	vadd.f32 v61, v5;
	v0 =	vadd.f32 v62, v63  }
0xd4: {  	s28 =	sadd.s32 $0x8800, s25  }
0xd5: {  	[tilespmem:s29], [sflag:$0x4] =	stream.indirect.gather [hbm4b:s3+s11], $0x40, s28, s11, $0xb8;
	[tilespmem:$0x1E440] =	vst v63  }
0xd6: {  	s30 =	sadd.s32 $0x8880, s25  }
0xd7: {  	[tilespmem:s31], [sflag:$0x4] =	stream.indirect.gather [hbm4b:s3+s11], $0x40, s30, s11, $0xb8;
	[tilespmem:$0x1E440] =	vst v63  }
.Ltmp3:
0xd8: {  	_ = 	snop;
	(pc) =	sbr.rel .LBB2_2-.Ltmp3, $4  }
0xd9: {  	s30 =	sadd.s32 $0x8900, s25  }
0xda: {  	[tilespmem:s1], [sflag:$0x4] =	stream.indirect.gather [hbm4b:s3+s11], $0x40, s30, s11, $0xb8;
	[tilespmem:$0x1E440] =	vst v63  }
0xdb: {  	s23 =	sadd.s32 $0x1, s23;
	s30 =	sadd.s32 $0x8980, s25  }
0xdc: {  	[tilespmem:s14], [sflag:$0x4] =	stream.indirect.gather [hbm4b:s3+s11], $0x40, s30, s11, $0xb8;
	[tilespmem:$0x1E440] =	vst v63  }
.LBB2_8:
0xdd: {  	_ =	swait.ge [sflag:s15], $0x8000  }
0xde: {  	[sflag:s15] =	ssyncset.done $0x0  }
0xdf: {  	s23 =	simm.s32 $0x0;
	[sflag:s15] =	ssyncadd.s32 $0xFFFF8000  }
0xe0: {  	v4 =	vld [tilespmem:s23+$0xE5C0]  }
0xe1: {  	v5 =	vld [tilespmem:s23+$0xE5D0]  }
0xe2: {  	v6 =	vld [tilespmem:s23+$0xE580]  }
0xe3: {  	v7 =	vld [tilespmem:s23+$0xE590]  }
0xe4: {  	v8 =	vld [tilespmem:s23+$0xE540]  }
0xe5: {  	v9 =	vld [tilespmem:s23+$0xE550]  }
0xe6: {  	v10 =	vld [tilespmem:s23+$0xE500]  }
0xe7: {  	v11 =	vld [tilespmem:s23+$0xE510]  }
0xe8: {  	v13 =	vld [tilespmem:s23+$0xE4C0]  }
0xe9: {  	v12 =	vld [tilespmem:s23+$0xE4D0]  }
0xea: {  	v15 =	vld [tilespmem:s23+$0xE480]  }
0xeb: {  	v14 =	vld [tilespmem:s23+$0xE490]  }
0xec: {  	v17 =	vld [tilespmem:s23+$0xE440]  }
0xed: {  	v16 =	vld [tilespmem:s23+$0xE450]  }
0xee: {  	v19 =	vld [tilespmem:s23+$0xE400]  }
0xef: {  	v20 =	vld [tilespmem:s23+$0xE410]  }
0xf0: {  	s25 =	simm.s32 $0x800;
	v18 =	vld [tilespmem:s23+$0xE420]  }
.LBB2_9:
0xf1: {  	p0 =	sne.s32 s25, $0x1F800;
	v21 =	vld [tilespmem:s23+$0xE430]  }
0xf2: {  	v22 =	vld [tilespmem:s23+$0xE460]  }
0xf3: {  	v23 =	vld [tilespmem:s23+$0xE470]  }
0xf4: {  	v24 =	vld [tilespmem:s23+$0xE4A0]  }
0xf5: {  	v3 =	vadd.f32 v19, v3;
	v2 =	vadd.f32 v20, v2;
	v19 =	vld [tilespmem:s23+$0xE4B0]  }
0xf6: {  	v1 =	vadd.f32 v18, v1;
	v0 =	vadd.f32 v21, v0;
	v18 =	vld [tilespmem:s23+$0xE4E0]  }
0xf7: {  	v3 =	vadd.f32 v17, v3;
	v2 =	vadd.f32 v16, v2;
	v16 =	vld [tilespmem:s23+$0xE4F0]  }
0xf8: {  	v1 =	vadd.f32 v22, v1;
	v0 =	vadd.f32 v23, v0;
	v17 =	vld [tilespmem:s23+$0xE520]  }
0xf9: {  	v3 =	vadd.f32 v15, v3;
	v2 =	vadd.f32 v14, v2;
	v14 =	vld [tilespmem:s23+$0xE530]  }
0xfa: {  	v1 =	vadd.f32 v24, v1;
	v0 =	vadd.f32 v19, v0;
	v15 =	vld [tilespmem:s23+$0xE560]  }
0xfb: {  	v3 =	vadd.f32 v13, v3;
	v2 =	vadd.f32 v12, v2;
	v12 =	vld [tilespmem:s23+$0xE570]  }
0xfc: {  	v1 =	vadd.f32 v18, v1;
	v0 =	vadd.f32 v16, v0;
	v13 =	vld [tilespmem:s23+$0xE5A0]  }
0xfd: {  	v3 =	vadd.f32 v10, v3;
	v2 =	vadd.f32 v11, v2;
	v10 =	vld [tilespmem:s23+$0xE5B0]  }
0xfe: {  	v1 =	vadd.f32 v17, v1;
	v0 =	vadd.f32 v14, v0;
	v11 =	vld [tilespmem:s23+$0xE5E0]  }
0xff: {  	v3 =	vadd.f32 v8, v3;
	v2 =	vadd.f32 v9, v2;
	v9 =	vld [tilespmem:s23+$0xE5F0];
	s23 =	sshra.s32 s25, $0x2  }
0x100: {  	v1 =	vadd.f32 v15, v1;
	v14 =	vld [tilespmem:s23+$0xE5C0];
	v0 =	vadd.f32 v12, v0  }
0x101: {  	v3 =	vadd.f32 v6, v3;
	v2 =	vadd.f32 v7, v2;
	v12 =	vld [tilespmem:s23+$0xE5D0]  }
0x102: {  	v1 =	vadd.f32 v13, v1;
	v6 =	vld [tilespmem:s23+$0xE580];
	v0 =	vadd.f32 v10, v0  }
0x103: {  	v3 =	vadd.f32 v4, v3;
	v2 =	vadd.f32 v5, v2;
	v7 =	vld [tilespmem:s23+$0xE590]  }
0x104: {  	v1 =	vadd.f32 v11, v1;
	v8 =	vld [tilespmem:s23+$0xE540];
	v0 =	vadd.f32 v9, v0  }
0x105: {  	v9 =	vld [tilespmem:s23+$0xE550];
	v4 =	vmov v14  }
0x106: {  	v10 =	vld [tilespmem:s23+$0xE500];
	v5 =	vmov v12  }
0x107: {  	v11 =	vld [tilespmem:s23+$0xE510]  }
0x108: {  	v13 =	vld [tilespmem:s23+$0xE4C0]  }
0x109: {  	v12 =	vld [tilespmem:s23+$0xE4D0]  }
0x10a: {  	v15 =	vld [tilespmem:s23+$0xE480]  }
0x10b: {  	v14 =	vld [tilespmem:s23+$0xE490]  }
.Ltmp4:
0x10c: {  	v17 =	vld [tilespmem:s23+$0xE440];
	(pc) =	sbr.rel @p0 .LBB2_9-.Ltmp4, $4  }
0x10d: {  	v16 =	vld [tilespmem:s23+$0xE450]  }
0x10e: {  	v19 =	vld [tilespmem:s23+$0xE400]  }
0x10f: {  	v20 =	vld [tilespmem:s23+$0xE410]  }
0x110: {  	s25 =	sadd.s32 $0x800, s25;
	v18 =	vld [tilespmem:s23+$0xE420]  }
0x111: {  	v21 =	vld [tilespmem:s23+$0xE430]  }
0x112: {  	v22 =	vld [tilespmem:s23+$0xE460]  }
0x113: {  	v23 =	vld [tilespmem:s23+$0xE470];
	v3 =	vadd.f32 v19, v3  }
0x114: {  	v52 =	vld [tilespmem:s23+$0xE4A0];
	v2 =	vadd.f32 v20, v2  }
0x115: {  	v53 =	vld [tilespmem:s23+$0xE4B0];
	v1 =	vadd.f32 v18, v1;
	v3 =	vadd.f32 v17, v3  }
0x116: {  	v54 =	vld [tilespmem:s23+$0xE4E0];
	v0 =	vadd.f32 v21, v0;
	v2 =	vadd.f32 v16, v2  }
0x117: {  	v55 =	vld [tilespmem:s23+$0xE4F0];
	v1 =	vadd.f32 v22, v1;
	v3 =	vadd.f32 v15, v3  }
0x118: {  	v56 =	vld [tilespmem:s23+$0xE520];
	v0 =	vadd.f32 v23, v0;
	v2 =	vadd.f32 v14, v2  }
0x119: {  	v57 =	vld [tilespmem:s23+$0xE530];
	v1 =	vadd.f32 v52, v1;
	v3 =	vadd.f32 v13, v3  }
0x11a: {  	v58 =	vld [tilespmem:s23+$0xE560];
	v0 =	vadd.f32 v53, v0;
	v2 =	vadd.f32 v12, v2  }
0x11b: {  	v59 =	vld [tilespmem:s23+$0xE570];
	v1 =	vadd.f32 v54, v1;
	v3 =	vadd.f32 v10, v3  }
0x11c: {  	v60 =	vld [tilespmem:s23+$0xE5A0];
	v0 =	vadd.f32 v55, v0;
	v2 =	vadd.f32 v11, v2  }
0x11d: {  	v61 =	vld [tilespmem:s23+$0xE5B0];
	v1 =	vadd.f32 v56, v1;
	v3 =	vadd.f32 v8, v3  }
0x11e: {  	v62 =	vld [tilespmem:s23+$0xE5E0];
	v0 =	vadd.f32 v57, v0;
	v2 =	vadd.f32 v9, v2  }
0x11f: {  	v63 =	vld [tilespmem:s23+$0xE5F0];
	v1 =	vadd.f32 v58, v1;
	v3 =	vadd.f32 v6, v3  }
0x120: {  	v0 =	vadd.f32 v59, v0;
	v2 =	vadd.f32 v7, v2  }
0x121: {  	v1 =	vadd.f32 v60, v1;
	v3 =	vadd.f32 v4, v3  }
0x122: {  	v0 =	vadd.f32 v61, v0;
	v2 =	vadd.f32 v5, v2  }
0x123: {  	v1 =	vadd.f32 v62, v1;
	[tilespmem:$0x1E400] =	vst v3  }
0x124: {  	s21 =	sadd.s32 $0x1, s21;
	v0 =	vadd.f32 v63, v0;
	[tilespmem:$0x1E410] =	vst v2  }
0x125: {  	p0 =	sne.s32 s21, s8;
	[tilespmem:$0x1E420] =	vst v1  }
.Ltmp5:
0x126: {  	[tilespmem:$0x1E430] =	vst v0;
	(pc) =	sbr.rel @p0 .LBB2_1-.Ltmp5, $4  }
0x127: {  	[hbm4b:s7+s2] =	stream.linear.scatter [tilespmem:s17], [sflag:$0x5], $0x40, $0x38;
	[tilespmem:$0x1E440] =	vst v63  }
0x128: {  	_ =	swait.ge [sflag:s10], $0x40  }
0x129: {  	[sflag:s10] =	ssyncset.done $0x0  }
0x12a: {  	[sflag:s10] =	ssyncadd.s32 $0xFFFFFFC0  }
0x12b: {  	_ =	sfence.sel $0x180000  }
0x12c: {  	[bflag:$0x0] =	sbarrier.arrive $0xFFFF  }
0x12d: {  	_ =	strace $0x90000047  }
0x12e: {  	s0 =	stileid.u32;
	[bflag:$0x2] =	sbarrier.arrive $0xFFFF  }
0x12f: {  	p0 =	sne.s32 s0, $0x0;
	s0 =	rddreg [dreg:$0x3]  }
0x130: {  	s0 =	sadd.s32 @!p0 $0x100000, s0  }
0x131: {  	[sflag:s0] =	ssyncadd.tile.s32 @!p0 $0x1;
	_ =	shalt  }
.Lfunc_end2:
_tile_overlayer_lowered:
.L_overlay_start_2:
0x132: {  	(tag) =	ssettag $0x2  }
0x133: {  	s0 =	rddreg [dreg:$0x0];
	s2 =	stileid.u32  }
0x134: {  	s1 =	rddreg [dreg:$0x1];
	p0 =	sne.s32 s2, $0x0  }
0x135: {  	s3 =	rddreg [dreg:$0x2];
	[bflag:$0x3] =	sbarrier.arrive $0xFFFF;
	s2 =	simm.s32 @!p0 $0x1C05  }
0x136: {  	[timem:s3], [sflag:s2] =	dma.local @!p0 [hbm:s0], s1  }
0x137: {  	s0 =	simm.s32 @!p0 $0x5  }
0x138: {  	_ =	swait.ge @!p0 [sflag:s0], s1  }
0x139: {  	s1 =	ssub.s32 @!p0 $0x0, s1;
	[sflag:s0] =	ssyncset.done @!p0 $0x0  }
0x13a: {  	[sflag:s0] =	ssyncadd.s32 @!p0 s1  }
0x13b: {  	[bflag:$0x3] =	sbarrier.arrive $0xFFFF  }
0x13c: {  	_ =	shalt  }

</sc_bundles>
